<compile_context>
chip_gen: v7x
topology: tpu7x:2x2x1
jax: 0.10.2.dev20260603
libtpu: 0.0.44.dev20260713+nightly
codegen_flags: <defaults>
</compile_context>

<pallas_src>
import functools

import jax
import jax.numpy as jnp
from jax import lax
from jax.experimental import pallas as pl
from jax.experimental.pallas import tpu as pltpu
from jax.experimental.pallas import tpu_sc as plsc

N_FACTORS = 32
BATCH = 16384

NUM_CORES = 2
NUM_SUBCORES = 16
LANES = 16
NUM_WORKERS = NUM_CORES * NUM_SUBCORES
B_PER_W = BATCH // NUM_WORKERS
IDX_CHUNK = 128
N_CHUNKS = B_PER_W // IDX_CHUNK

_mesh = plsc.VectorSubcoreMesh(
    core_axis_name="c", subcore_axis_name="s",
    num_cores=NUM_CORES, num_subcores=NUM_SUBCORES,
)


@functools.partial(
    pl.kernel,
    out_type=jax.ShapeDtypeStruct((BATCH,), jnp.float32),
    mesh=_mesh,
    compiler_params=pltpu.CompilerParams(
        needs_layout_passes=False, use_tc_tiling_on_sc=False),
    scratch_types=dict(
        uidx=pltpu.VMEM((N_CHUNKS, IDX_CHUNK), jnp.int32),
        midx=pltpu.VMEM((N_CHUNKS, IDX_CHUNK), jnp.int32),
        urows=pltpu.VMEM((B_PER_W, N_FACTORS), jnp.float32),
        mrows=pltpu.VMEM((B_PER_W, N_FACTORS), jnp.float32),
        out_v=pltpu.VMEM((B_PER_W,), jnp.float32),
        sem=pltpu.SemaphoreType.DMA,
    ),
)
def _sc_body(user_ids, movie_ids, user_factors, movie_factors, out_hbm,
             uidx, midx, urows, mrows, out_v, sem):
    wid = lax.axis_index("s") * NUM_CORES + lax.axis_index("c")
    base = wid * B_PER_W

    for c in range(N_CHUNKS):
        off = base + c * IDX_CHUNK
        pltpu.sync_copy(user_ids.at[pl.ds(off, IDX_CHUNK)], uidx.at[c])
        pltpu.sync_copy(movie_ids.at[pl.ds(off, IDX_CHUNK)], midx.at[c])

    lane = lax.broadcasted_iota(jnp.int32, (LANES,), 0)

    def fire_group(g):
        c = g // 8
        r = g % 8
        uvec = uidx.at[c][pl.ds(r * LANES, LANES)]
        mvec = midx.at[c][pl.ds(r * LANES, LANES)]
        for j in range(LANES):
            i = g * LANES + j
            pltpu.async_copy(user_factors.at[pl.ds(uvec[j], 1), :],
                             urows.at[pl.ds(i, 1), :], sem)
            pltpu.async_copy(movie_factors.at[pl.ds(mvec[j], 1), :],
                             mrows.at[pl.ds(i, 1), :], sem)

    def wait_group():
        pltpu.make_async_copy(user_factors.at[pl.ds(0, LANES), :],
                              urows.at[pl.ds(0, LANES), :], sem).wait()
        pltpu.make_async_copy(movie_factors.at[pl.ds(0, LANES), :],
                              mrows.at[pl.ds(0, LANES), :], sem).wait()

    fire_group(0)

    def fire_body(g, _):
        fire_group(g)
        wait_group()
        return 0

    lax.fori_loop(1, B_PER_W // LANES, fire_body, 0)
    wait_group()
    last_lane = lane == (LANES - 1)

    def row_body(r, _):
        a_lo = urows[r, pl.ds(0, LANES)]
        a_hi = urows[r, pl.ds(LANES, LANES)]
        b_lo = mrows[r, pl.ds(0, LANES)]
        b_hi = mrows[r, pl.ds(LANES, LANES)]
        p = a_lo * b_lo + a_hi * b_hi
        s = plsc.cumsum(p)
        plsc.store_scatter(out_v, [jnp.full((LANES,), r, jnp.int32)], s,
                           mask=last_lane)
        return 0

    lax.fori_loop(0, B_PER_W, row_body, 0)

    pltpu.sync_copy(out_v, out_hbm.at[pl.ds(base, B_PER_W)])


def kernel(user_ids, movie_ids, user_factors, movie_factors):
    out = _sc_body(
        user_ids.astype(jnp.int32),
        movie_ids.astype(jnp.int32),
        user_factors,
        movie_factors,
    )
    return out.reshape(-1, 1)

# --- scband reference (transcript-rebuilt; emitter-appended) ---
"""Pipeline reference for scband-collaborative-filtering-16149077033598 (READ-ONLY COPY).

The authoritative reference and input builder live on the scoring server;
editing this copy changes nothing except your own understanding.
"""

import jax, jax.numpy as jnp
import numpy as np

N_USERS = 1000000
N_MOVIES = 1000000
N_FACTORS = 32
BATCH = 16384


def setup_inputs(seed: int = 0) -> dict:
    key = jax.random.key(seed)
    k1, k2, k3, k4 = jax.random.split(key, 4)
    user_ids = jax.random.randint(k1, (BATCH,), 0, N_USERS, dtype=jnp.int64) if jax.config.jax_enable_x64 else jax.random.randint(k1, (BATCH,), 0, N_USERS, dtype=jnp.int32)
    movie_ids = jax.random.randint(k2, (BATCH,), 0, N_MOVIES, dtype=jnp.int64) if jax.config.jax_enable_x64 else jax.random.randint(k2, (BATCH,), 0, N_MOVIES, dtype=jnp.int32)
    user_factors = jax.random.normal(k3, (N_USERS, N_FACTORS), dtype=jnp.float32)
    movie_factors = jax.random.normal(k4, (N_MOVIES, N_FACTORS), dtype=jnp.float32)
    return {
        "user_ids": user_ids,
        "movie_ids": movie_ids,
        "user_factors": user_factors,
        "movie_factors": movie_factors,
    }


def reference(user_ids, movie_ids, user_factors, movie_factors):
    # Embedding lookups (gathers)
    uf = jnp.take(user_factors, user_ids, axis=0)   # [B, F]
    mf = jnp.take(movie_factors, movie_ids, axis=0)  # [B, F]
    affinities = jnp.sum(uf * mf, axis=1)            # [B]
    return affinities.reshape(-1, 1)                 # [B, 1]

if __name__ == "__main__":
    import jax
    _d = setup_inputs()
    print(jax.jit(kernel)(*tuple(_d.values())))

</pallas_src>

<mosaic_0001>
#map = affine_map<(d0, d1) -> (0)>
#map1 = affine_map<(d0, d1) -> (0, 0)>
module attributes {stable_mosaic.version = 14 : i64} {
  func.func @_sc_body(%arg0: i32, %arg1: i32, %arg2: memref<16384xi32, #tpu.memory_space<hbm>>, %arg3: memref<16384xi32, #tpu.memory_space<hbm>>, %arg4: memref<1000000x32xf32, #tpu.memory_space<hbm>>, %arg5: memref<1000000x32xf32, #tpu.memory_space<hbm>>, %arg6: memref<16384xf32, #tpu.memory_space<hbm>>, %arg7: memref<4x128xi32, #tpu.memory_space<vmem>>, %arg8: memref<512x32xf32, #tpu.memory_space<vmem>>, %arg9: memref<512xf32, #tpu.memory_space<vmem>>, %arg10: memref<!tpu.dma_semaphore, #tpu.memory_space<semaphore_mem>>, %arg11: memref<4x128xi32, #tpu.memory_space<vmem>>, %arg12: memref<512x32xf32, #tpu.memory_space<vmem>>) attributes {dimension_semantics = [#tpu.dimension_semantics<core_parallel>, #tpu.dimension_semantics<subcore_parallel>], iteration_bounds = array<i64: 2, 16>, scalar_prefetch = 0 : i64, scratch_operands = 6 : i64, tpu.core_type = #tpu.core_type<sc_vector_subcore>, window_params = [{transform_indices = #map}, {transform_indices = #map}, {transform_indices = #map1}, {transform_indices = #map1}, {transform_indices = #map}]} {
    %mul3A = arith.constant 2 : i32
    %mul3A_0 = arith.muli %arg1, %mul3A : i32
    %add3A = arith.addi %mul3A_0, %arg0 : i32
    %mul3A_1 = arith.constant 512 : i32
    %mul3A_2 = arith.muli %add3A, %mul3A_1 : i32
    %add3A_3 = arith.constant 0 : i32
    %add3A_4 = arith.addi %mul3A_2, %add3A_3 : i32
    %run_scoped3A = arith.constant 0 : i32
    "tpu.region"() ({
      %run_scoped3A_448 = tpu.sem_alloc : memref<!tpu.dma_semaphore, #tpu.memory_space<semaphore_mem>>
      %dma_start3A_449 = arith.constant 0 : i32
      %dma_start3A_450 = tpu.memref_slice %arg11[%run_scoped3A, %dma_start3A_449] : memref<4x128xi32, #tpu.memory_space<vmem>> -> memref<1x128xi32, #tpu.memory_space<vmem>>
      %dma_start3A_451 = tpu.memref_squeeze %dma_start3A_450 : memref<1x128xi32, #tpu.memory_space<vmem>> -> memref<128xi32, #tpu.memory_space<vmem>>
      %dma_start3A_452 = tpu.memref_slice %arg2[%add3A_4] : memref<16384xi32, #tpu.memory_space<hbm>> -> memref<128xi32, #tpu.memory_space<hbm>>
      %dma_start3A_453 = arith.constant 0 : i32
      %dma_start3A_454 = tpu.memref_slice %arg11[%run_scoped3A, %dma_start3A_453] : memref<4x128xi32, #tpu.memory_space<vmem>> -> memref<1x128xi32, #tpu.memory_space<vmem>>
      %dma_start3A_455 = tpu.memref_squeeze %dma_start3A_454 : memref<1x128xi32, #tpu.memory_space<vmem>> -> memref<128xi32, #tpu.memory_space<vmem>>
      %dma_start3A_456 = tpu.memref_slice %arg2[%add3A_4] : memref<16384xi32, #tpu.memory_space<hbm>> -> memref<128xi32, #tpu.memory_space<hbm>>
      tpu.enqueue_dma source(%dma_start3A_456 : memref<128xi32, #tpu.memory_space<hbm>>) target(%dma_start3A_455 : memref<128xi32, #tpu.memory_space<vmem>>) target_semaphore(%run_scoped3A_448 : memref<!tpu.dma_semaphore, #tpu.memory_space<semaphore_mem>>)
      %dma_wait3A_457 = arith.constant 0 : i32
      %dma_wait3A_458 = tpu.memref_slice %arg11[%run_scoped3A, %dma_wait3A_457] : memref<4x128xi32, #tpu.memory_space<vmem>> -> memref<1x128xi32, #tpu.memory_space<vmem>>
      %dma_wait3A_459 = tpu.memref_squeeze %dma_wait3A_458 : memref<1x128xi32, #tpu.memory_space<vmem>> -> memref<128xi32, #tpu.memory_space<vmem>>
      %dma_wait3A_460 = tpu.memref_slice %arg2[%add3A_4] : memref<16384xi32, #tpu.memory_space<hbm>> -> memref<128xi32, #tpu.memory_space<hbm>>
      %dma_wait3A_461 = arith.constant 0 : i32
      %dma_wait3A_462 = tpu.memref_slice %arg11[%run_scoped3A, %dma_wait3A_461] : memref<4x128xi32, #tpu.memory_space<vmem>> -> memref<1x128xi32, #tpu.memory_space<vmem>>
      %dma_wait3A_463 = tpu.memref_squeeze %dma_wait3A_462 : memref<1x128xi32, #tpu.memory_space<vmem>> -> memref<128xi32, #tpu.memory_space<vmem>>
      %dma_wait3A_464 = tpu.memref_slice %arg2[%add3A_4] : memref<16384xi32, #tpu.memory_space<hbm>> -> memref<128xi32, #tpu.memory_space<hbm>>
      tpu.wait_dma2 semaphore(%run_scoped3A_448 : memref<!tpu.dma_semaphore, #tpu.memory_space<semaphore_mem>>) src(%dma_wait3A_464 : memref<128xi32, #tpu.memory_space<hbm>>) dst(%dma_wait3A_463 : memref<128xi32, #tpu.memory_space<vmem>>)
      tpu.yield
    }) : () -> ()
    %run_scoped3A_5 = arith.constant 0 : i32
    "tpu.region"() ({
      %run_scoped3A_448 = tpu.sem_alloc : memref<!tpu.dma_semaphore, #tpu.memory_space<semaphore_mem>>
      %dma_start3A_449 = arith.constant 0 : i32
      %dma_start3A_450 = tpu.memref_slice %arg7[%run_scoped3A_5, %dma_start3A_449] : memref<4x128xi32, #tpu.memory_space<vmem>> -> memref<1x128xi32, #tpu.memory_space<vmem>>
      %dma_start3A_451 = tpu.memref_squeeze %dma_start3A_450 : memref<1x128xi32, #tpu.memory_space<vmem>> -> memref<128xi32, #tpu.memory_space<vmem>>
      %dma_start3A_452 = tpu.memref_slice %arg3[%add3A_4] : memref<16384xi32, #tpu.memory_space<hbm>> -> memref<128xi32, #tpu.memory_space<hbm>>
      %dma_start3A_453 = arith.constant 0 : i32
      %dma_start3A_454 = tpu.memref_slice %arg7[%run_scoped3A_5, %dma_start3A_453] : memref<4x128xi32, #tpu.memory_space<vmem>> -> memref<1x128xi32, #tpu.memory_space<vmem>>
      %dma_start3A_455 = tpu.memref_squeeze %dma_start3A_454 : memref<1x128xi32, #tpu.memory_space<vmem>> -> memref<128xi32, #tpu.memory_space<vmem>>
      %dma_start3A_456 = tpu.memref_slice %arg3[%add3A_4] : memref<16384xi32, #tpu.memory_space<hbm>> -> memref<128xi32, #tpu.memory_space<hbm>>
      tpu.enqueue_dma source(%dma_start3A_456 : memref<128xi32, #tpu.memory_space<hbm>>) target(%dma_start3A_455 : memref<128xi32, #tpu.memory_space<vmem>>) target_semaphore(%run_scoped3A_448 : memref<!tpu.dma_semaphore, #tpu.memory_space<semaphore_mem>>)
      %dma_wait3A_457 = arith.constant 0 : i32
      %dma_wait3A_458 = tpu.memref_slice %arg7[%run_scoped3A_5, %dma_wait3A_457] : memref<4x128xi32, #tpu.memory_space<vmem>> -> memref<1x128xi32, #tpu.memory_space<vmem>>
      %dma_wait3A_459 = tpu.memref_squeeze %dma_wait3A_458 : memref<1x128xi32, #tpu.memory_space<vmem>> -> memref<128xi32, #tpu.memory_space<vmem>>
      %dma_wait3A_460 = tpu.memref_slice %arg3[%add3A_4] : memref<16384xi32, #tpu.memory_space<hbm>> -> memref<128xi32, #tpu.memory_space<hbm>>
      %dma_wait3A_461 = arith.constant 0 : i32
      %dma_wait3A_462 = tpu.memref_slice %arg7[%run_scoped3A_5, %dma_wait3A_461] : memref<4x128xi32, #tpu.memory_space<vmem>> -> memref<1x128xi32, #tpu.memory_space<vmem>>
      %dma_wait3A_463 = tpu.memref_squeeze %dma_wait3A_462 : memref<1x128xi32, #tpu.memory_space<vmem>> -> memref<128xi32, #tpu.memory_space<vmem>>
      %dma_wait3A_464 = tpu.memref_slice %arg3[%add3A_4] : memref<16384xi32, #tpu.memory_space<hbm>> -> memref<128xi32, #tpu.memory_space<hbm>>
      tpu.wait_dma2 semaphore(%run_scoped3A_448 : memref<!tpu.dma_semaphore, #tpu.memory_space<semaphore_mem>>) src(%dma_wait3A_464 : memref<128xi32, #tpu.memory_space<hbm>>) dst(%dma_wait3A_463 : memref<128xi32, #tpu.memory_space<vmem>>)
      tpu.yield
    }) : () -> ()
    %add3A_6 = arith.constant 128 : i32
    %add3A_7 = arith.addi %mul3A_2, %add3A_6 : i32
    %run_scoped3A_8 = arith.constant 1 : i32
    "tpu.region"() ({
      %run_scoped3A_448 = tpu.sem_alloc : memref<!tpu.dma_semaphore, #tpu.memory_space<semaphore_mem>>
      %dma_start3A_449 = arith.constant 0 : i32
      %dma_start3A_450 = tpu.memref_slice %arg11[%run_scoped3A_8, %dma_start3A_449] : memref<4x128xi32, #tpu.memory_space<vmem>> -> memref<1x128xi32, #tpu.memory_space<vmem>>
      %dma_start3A_451 = tpu.memref_squeeze %dma_start3A_450 : memref<1x128xi32, #tpu.memory_space<vmem>> -> memref<128xi32, #tpu.memory_space<vmem>>
      %dma_start3A_452 = tpu.memref_slice %arg2[%add3A_7] : memref<16384xi32, #tpu.memory_space<hbm>> -> memref<128xi32, #tpu.memory_space<hbm>>
      %dma_start3A_453 = arith.constant 0 : i32
      %dma_start3A_454 = tpu.memref_slice %arg11[%run_scoped3A_8, %dma_start3A_453] : memref<4x128xi32, #tpu.memory_space<vmem>> -> memref<1x128xi32, #tpu.memory_space<vmem>>
      %dma_start3A_455 = tpu.memref_squeeze %dma_start3A_454 : memref<1x128xi32, #tpu.memory_space<vmem>> -> memref<128xi32, #tpu.memory_space<vmem>>
      %dma_start3A_456 = tpu.memref_slice %arg2[%add3A_7] : memref<16384xi32, #tpu.memory_space<hbm>> -> memref<128xi32, #tpu.memory_space<hbm>>
      tpu.enqueue_dma source(%dma_start3A_456 : memref<128xi32, #tpu.memory_space<hbm>>) target(%dma_start3A_455 : memref<128xi32, #tpu.memory_space<vmem>>) target_semaphore(%run_scoped3A_448 : memref<!tpu.dma_semaphore, #tpu.memory_space<semaphore_mem>>)
      %dma_wait3A_457 = arith.constant 0 : i32
      %dma_wait3A_458 = tpu.memref_slice %arg11[%run_scoped3A_8, %dma_wait3A_457] : memref<4x128xi32, #tpu.memory_space<vmem>> -> memref<1x128xi32, #tpu.memory_space<vmem>>
      %dma_wait3A_459 = tpu.memref_squeeze %dma_wait3A_458 : memref<1x128xi32, #tpu.memory_space<vmem>> -> memref<128xi32, #tpu.memory_space<vmem>>
      %dma_wait3A_460 = tpu.memref_slice %arg2[%add3A_7] : memref<16384xi32, #tpu.memory_space<hbm>> -> memref<128xi32, #tpu.memory_space<hbm>>
      %dma_wait3A_461 = arith.constant 0 : i32
      %dma_wait3A_462 = tpu.memref_slice %arg11[%run_scoped3A_8, %dma_wait3A_461] : memref<4x128xi32, #tpu.memory_space<vmem>> -> memref<1x128xi32, #tpu.memory_space<vmem>>
      %dma_wait3A_463 = tpu.memref_squeeze %dma_wait3A_462 : memref<1x128xi32, #tpu.memory_space<vmem>> -> memref<128xi32, #tpu.memory_space<vmem>>
      %dma_wait3A_464 = tpu.memref_slice %arg2[%add3A_7] : memref<16384xi32, #tpu.memory_space<hbm>> -> memref<128xi32, #tpu.memory_space<hbm>>
      tpu.wait_dma2 semaphore(%run_scoped3A_448 : memref<!tpu.dma_semaphore, #tpu.memory_space<semaphore_mem>>) src(%dma_wait3A_464 : memref<128xi32, #tpu.memory_space<hbm>>) dst(%dma_wait3A_463 : memref<128xi32, #tpu.memory_space<vmem>>)
      tpu.yield
    }) : () -> ()
    %run_scoped3A_9 = arith.constant 1 : i32
    "tpu.region"() ({
      %run_scoped3A_448 = tpu.sem_alloc : memref<!tpu.dma_semaphore, #tpu.memory_space<semaphore_mem>>
      %dma_start3A_449 = arith.constant 0 : i32
      %dma_start3A_450 = tpu.memref_slice %arg7[%run_scoped3A_9, %dma_start3A_449] : memref<4x128xi32, #tpu.memory_space<vmem>> -> memref<1x128xi32, #tpu.memory_space<vmem>>
      %dma_start3A_451 = tpu.memref_squeeze %dma_start3A_450 : memref<1x128xi32, #tpu.memory_space<vmem>> -> memref<128xi32, #tpu.memory_space<vmem>>
      %dma_start3A_452 = tpu.memref_slice %arg3[%add3A_7] : memref<16384xi32, #tpu.memory_space<hbm>> -> memref<128xi32, #tpu.memory_space<hbm>>
      %dma_start3A_453 = arith.constant 0 : i32
      %dma_start3A_454 = tpu.memref_slice %arg7[%run_scoped3A_9, %dma_start3A_453] : memref<4x128xi32, #tpu.memory_space<vmem>> -> memref<1x128xi32, #tpu.memory_space<vmem>>
      %dma_start3A_455 = tpu.memref_squeeze %dma_start3A_454 : memref<1x128xi32, #tpu.memory_space<vmem>> -> memref<128xi32, #tpu.memory_space<vmem>>
      %dma_start3A_456 = tpu.memref_slice %arg3[%add3A_7] : memref<16384xi32, #tpu.memory_space<hbm>> -> memref<128xi32, #tpu.memory_space<hbm>>
      tpu.enqueue_dma source(%dma_start3A_456 : memref<128xi32, #tpu.memory_space<hbm>>) target(%dma_start3A_455 : memref<128xi32, #tpu.memory_space<vmem>>) target_semaphore(%run_scoped3A_448 : memref<!tpu.dma_semaphore, #tpu.memory_space<semaphore_mem>>)
      %dma_wait3A_457 = arith.constant 0 : i32
      %dma_wait3A_458 = tpu.memref_slice %arg7[%run_scoped3A_9, %dma_wait3A_457] : memref<4x128xi32, #tpu.memory_space<vmem>> -> memref<1x128xi32, #tpu.memory_space<vmem>>
      %dma_wait3A_459 = tpu.memref_squeeze %dma_wait3A_458 : memref<1x128xi32, #tpu.memory_space<vmem>> -> memref<128xi32, #tpu.memory_space<vmem>>
      %dma_wait3A_460 = tpu.memref_slice %arg3[%add3A_7] : memref<16384xi32, #tpu.memory_space<hbm>> -> memref<128xi32, #tpu.memory_space<hbm>>
      %dma_wait3A_461 = arith.constant 0 : i32
      %dma_wait3A_462 = tpu.memref_slice %arg7[%run_scoped3A_9, %dma_wait3A_461] : memref<4x128xi32, #tpu.memory_space<vmem>> -> memref<1x128xi32, #tpu.memory_space<vmem>>
      %dma_wait3A_463 = tpu.memref_squeeze %dma_wait3A_462 : memref<1x128xi32, #tpu.memory_space<vmem>> -> memref<128xi32, #tpu.memory_space<vmem>>
      %dma_wait3A_464 = tpu.memref_slice %arg3[%add3A_7] : memref<16384xi32, #tpu.memory_space<hbm>> -> memref<128xi32, #tpu.memory_space<hbm>>
      tpu.wait_dma2 semaphore(%run_scoped3A_448 : memref<!tpu.dma_semaphore, #tpu.memory_space<semaphore_mem>>) src(%dma_wait3A_464 : memref<128xi32, #tpu.memory_space<hbm>>) dst(%dma_wait3A_463 : memref<128xi32, #tpu.memory_space<vmem>>)
      tpu.yield
    }) : () -> ()
    %add3A_10 = arith.constant 256 : i32
    %add3A_11 = arith.addi %mul3A_2, %add3A_10 : i32
    %run_scoped3A_12 = arith.constant 2 : i32
    "tpu.region"() ({
      %run_scoped3A_448 = tpu.sem_alloc : memref<!tpu.dma_semaphore, #tpu.memory_space<semaphore_mem>>
      %dma_start3A_449 = arith.constant 0 : i32
      %dma_start3A_450 = tpu.memref_slice %arg11[%run_scoped3A_12, %dma_start3A_449] : memref<4x128xi32, #tpu.memory_space<vmem>> -> memref<1x128xi32, #tpu.memory_space<vmem>>
      %dma_start3A_451 = tpu.memref_squeeze %dma_start3A_450 : memref<1x128xi32, #tpu.memory_space<vmem>> -> memref<128xi32, #tpu.memory_space<vmem>>
      %dma_start3A_452 = tpu.memref_slice %arg2[%add3A_11] : memref<16384xi32, #tpu.memory_space<hbm>> -> memref<128xi32, #tpu.memory_space<hbm>>
      %dma_start3A_453 = arith.constant 0 : i32
      %dma_start3A_454 = tpu.memref_slice %arg11[%run_scoped3A_12, %dma_start3A_453] : memref<4x128xi32, #tpu.memory_space<vmem>> -> memref<1x128xi32, #tpu.memory_space<vmem>>
      %dma_start3A_455 = tpu.memref_squeeze %dma_start3A_454 : memref<1x128xi32, #tpu.memory_space<vmem>> -> memref<128xi32, #tpu.memory_space<vmem>>
      %dma_start3A_456 = tpu.memref_slice %arg2[%add3A_11] : memref<16384xi32, #tpu.memory_space<hbm>> -> memref<128xi32, #tpu.memory_space<hbm>>
      tpu.enqueue_dma source(%dma_start3A_456 : memref<128xi32, #tpu.memory_space<hbm>>) target(%dma_start3A_455 : memref<128xi32, #tpu.memory_space<vmem>>) target_semaphore(%run_scoped3A_448 : memref<!tpu.dma_semaphore, #tpu.memory_space<semaphore_mem>>)
      %dma_wait3A_457 = arith.constant 0 : i32
      %dma_wait3A_458 = tpu.memref_slice %arg11[%run_scoped3A_12, %dma_wait3A_457] : memref<4x128xi32, #tpu.memory_space<vmem>> -> memref<1x128xi32, #tpu.memory_space<vmem>>
      %dma_wait3A_459 = tpu.memref_squeeze %dma_wait3A_458 : memref<1x128xi32, #tpu.memory_space<vmem>> -> memref<128xi32, #tpu.memory_space<vmem>>
      %dma_wait3A_460 = tpu.memref_slice %arg2[%add3A_11] : memref<16384xi32, #tpu.memory_space<hbm>> -> memref<128xi32, #tpu.memory_space<hbm>>
      %dma_wait3A_461 = arith.constant 0 : i32
      %dma_wait3A_462 = tpu.memref_slice %arg11[%run_scoped3A_12, %dma_wait3A_461] : memref<4x128xi32, #tpu.memory_space<vmem>> -> memref<1x128xi32, #tpu.memory_space<vmem>>
      %dma_wait3A_463 = tpu.memref_squeeze %dma_wait3A_462 : memref<1x128xi32, #tpu.memory_space<vmem>> -> memref<128xi32, #tpu.memory_space<vmem>>
      %dma_wait3A_464 = tpu.memref_slice %arg2[%add3A_11] : memref<16384xi32, #tpu.memory_space<hbm>> -> memref<128xi32, #tpu.memory_space<hbm>>
      tpu.wait_dma2 semaphore(%run_scoped3A_448 : memref<!tpu.dma_semaphore, #tpu.memory_space<semaphore_mem>>) src(%dma_wait3A_464 : memref<128xi32, #tpu.memory_space<hbm>>) dst(%dma_wait3A_463 : memref<128xi32, #tpu.memory_space<vmem>>)
      tpu.yield
    }) : () -> ()
    %run_scoped3A_13 = arith.constant 2 : i32
    "tpu.region"() ({
      %run_scoped3A_448 = tpu.sem_alloc : memref<!tpu.dma_semaphore, #tpu.memory_space<semaphore_mem>>
      %dma_start3A_449 = arith.constant 0 : i32
      %dma_start3A_450 = tpu.memref_slice %arg7[%run_scoped3A_13, %dma_start3A_449] : memref<4x128xi32, #tpu.memory_space<vmem>> -> memref<1x128xi32, #tpu.memory_space<vmem>>
      %dma_start3A_451 = tpu.memref_squeeze %dma_start3A_450 : memref<1x128xi32, #tpu.memory_space<vmem>> -> memref<128xi32, #tpu.memory_space<vmem>>
      %dma_start3A_452 = tpu.memref_slice %arg3[%add3A_11] : memref<16384xi32, #tpu.memory_space<hbm>> -> memref<128xi32, #tpu.memory_space<hbm>>
      %dma_start3A_453 = arith.constant 0 : i32
      %dma_start3A_454 = tpu.memref_slice %arg7[%run_scoped3A_13, %dma_start3A_453] : memref<4x128xi32, #tpu.memory_space<vmem>> -> memref<1x128xi32, #tpu.memory_space<vmem>>
      %dma_start3A_455 = tpu.memref_squeeze %dma_start3A_454 : memref<1x128xi32, #tpu.memory_space<vmem>> -> memref<128xi32, #tpu.memory_space<vmem>>
      %dma_start3A_456 = tpu.memref_slice %arg3[%add3A_11] : memref<16384xi32, #tpu.memory_space<hbm>> -> memref<128xi32, #tpu.memory_space<hbm>>
      tpu.enqueue_dma source(%dma_start3A_456 : memref<128xi32, #tpu.memory_space<hbm>>) target(%dma_start3A_455 : memref<128xi32, #tpu.memory_space<vmem>>) target_semaphore(%run_scoped3A_448 : memref<!tpu.dma_semaphore, #tpu.memory_space<semaphore_mem>>)
      %dma_wait3A_457 = arith.constant 0 : i32
      %dma_wait3A_458 = tpu.memref_slice %arg7[%run_scoped3A_13, %dma_wait3A_457] : memref<4x128xi32, #tpu.memory_space<vmem>> -> memref<1x128xi32, #tpu.memory_space<vmem>>
      %dma_wait3A_459 = tpu.memref_squeeze %dma_wait3A_458 : memref<1x128xi32, #tpu.memory_space<vmem>> -> memref<128xi32, #tpu.memory_space<vmem>>
      %dma_wait3A_460 = tpu.memref_slice %arg3[%add3A_11] : memref<16384xi32, #tpu.memory_space<hbm>> -> memref<128xi32, #tpu.memory_space<hbm>>
      %dma_wait3A_461 = arith.constant 0 : i32
      %dma_wait3A_462 = tpu.memref_slice %arg7[%run_scoped3A_13, %dma_wait3A_461] : memref<4x128xi32, #tpu.memory_space<vmem>> -> memref<1x128xi32, #tpu.memory_space<vmem>>
      %dma_wait3A_463 = tpu.memref_squeeze %dma_wait3A_462 : memref<1x128xi32, #tpu.memory_space<vmem>> -> memref<128xi32, #tpu.memory_space<vmem>>
      %dma_wait3A_464 = tpu.memref_slice %arg3[%add3A_11] : memref<16384xi32, #tpu.memory_space<hbm>> -> memref<128xi32, #tpu.memory_space<hbm>>
      tpu.wait_dma2 semaphore(%run_scoped3A_448 : memref<!tpu.dma_semaphore, #tpu.memory_space<semaphore_mem>>) src(%dma_wait3A_464 : memref<128xi32, #tpu.memory_space<hbm>>) dst(%dma_wait3A_463 : memref<128xi32, #tpu.memory_space<vmem>>)
      tpu.yield
    }) : () -> ()
    %add3A_14 = arith.constant 384 : i32
    %add3A_15 = arith.addi %mul3A_2, %add3A_14 : i32
    %run_scoped3A_16 = arith.constant 3 : i32
    "tpu.region"() ({
      %run_scoped3A_448 = tpu.sem_alloc : memref<!tpu.dma_semaphore, #tpu.memory_space<semaphore_mem>>
      %dma_start3A_449 = arith.constant 0 : i32
      %dma_start3A_450 = tpu.memref_slice %arg11[%run_scoped3A_16, %dma_start3A_449] : memref<4x128xi32, #tpu.memory_space<vmem>> -> memref<1x128xi32, #tpu.memory_space<vmem>>
      %dma_start3A_451 = tpu.memref_squeeze %dma_start3A_450 : memref<1x128xi32, #tpu.memory_space<vmem>> -> memref<128xi32, #tpu.memory_space<vmem>>
      %dma_start3A_452 = tpu.memref_slice %arg2[%add3A_15] : memref<16384xi32, #tpu.memory_space<hbm>> -> memref<128xi32, #tpu.memory_space<hbm>>
      %dma_start3A_453 = arith.constant 0 : i32
      %dma_start3A_454 = tpu.memref_slice %arg11[%run_scoped3A_16, %dma_start3A_453] : memref<4x128xi32, #tpu.memory_space<vmem>> -> memref<1x128xi32, #tpu.memory_space<vmem>>
      %dma_start3A_455 = tpu.memref_squeeze %dma_start3A_454 : memref<1x128xi32, #tpu.memory_space<vmem>> -> memref<128xi32, #tpu.memory_space<vmem>>
      %dma_start3A_456 = tpu.memref_slice %arg2[%add3A_15] : memref<16384xi32, #tpu.memory_space<hbm>> -> memref<128xi32, #tpu.memory_space<hbm>>
      tpu.enqueue_dma source(%dma_start3A_456 : memref<128xi32, #tpu.memory_space<hbm>>) target(%dma_start3A_455 : memref<128xi32, #tpu.memory_space<vmem>>) target_semaphore(%run_scoped3A_448 : memref<!tpu.dma_semaphore, #tpu.memory_space<semaphore_mem>>)
      %dma_wait3A_457 = arith.constant 0 : i32
      %dma_wait3A_458 = tpu.memref_slice %arg11[%run_scoped3A_16, %dma_wait3A_457] : memref<4x128xi32, #tpu.memory_space<vmem>> -> memref<1x128xi32, #tpu.memory_space<vmem>>
      %dma_wait3A_459 = tpu.memref_squeeze %dma_wait3A_458 : memref<1x128xi32, #tpu.memory_space<vmem>> -> memref<128xi32, #tpu.memory_space<vmem>>
      %dma_wait3A_460 = tpu.memref_slice %arg2[%add3A_15] : memref<16384xi32, #tpu.memory_space<hbm>> -> memref<128xi32, #tpu.memory_space<hbm>>
      %dma_wait3A_461 = arith.constant 0 : i32
      %dma_wait3A_462 = tpu.memref_slice %arg11[%run_scoped3A_16, %dma_wait3A_461] : memref<4x128xi32, #tpu.memory_space<vmem>> -> memref<1x128xi32, #tpu.memory_space<vmem>>
      %dma_wait3A_463 = tpu.memref_squeeze %dma_wait3A_462 : memref<1x128xi32, #tpu.memory_space<vmem>> -> memref<128xi32, #tpu.memory_space<vmem>>
      %dma_wait3A_464 = tpu.memref_slice %arg2[%add3A_15] : memref<16384xi32, #tpu.memory_space<hbm>> -> memref<128xi32, #tpu.memory_space<hbm>>
      tpu.wait_dma2 semaphore(%run_scoped3A_448 : memref<!tpu.dma_semaphore, #tpu.memory_space<semaphore_mem>>) src(%dma_wait3A_464 : memref<128xi32, #tpu.memory_space<hbm>>) dst(%dma_wait3A_463 : memref<128xi32, #tpu.memory_space<vmem>>)
      tpu.yield
    }) : () -> ()
    %run_scoped3A_17 = arith.constant 3 : i32
    "tpu.region"() ({
      %run_scoped3A_448 = tpu.sem_alloc : memref<!tpu.dma_semaphore, #tpu.memory_space<semaphore_mem>>
      %dma_start3A_449 = arith.constant 0 : i32
      %dma_start3A_450 = tpu.memref_slice %arg7[%run_scoped3A_17, %dma_start3A_449] : memref<4x128xi32, #tpu.memory_space<vmem>> -> memref<1x128xi32, #tpu.memory_space<vmem>>
      %dma_start3A_451 = tpu.memref_squeeze %dma_start3A_450 : memref<1x128xi32, #tpu.memory_space<vmem>> -> memref<128xi32, #tpu.memory_space<vmem>>
      %dma_start3A_452 = tpu.memref_slice %arg3[%add3A_15] : memref<16384xi32, #tpu.memory_space<hbm>> -> memref<128xi32, #tpu.memory_space<hbm>>
      %dma_start3A_453 = arith.constant 0 : i32
      %dma_start3A_454 = tpu.memref_slice %arg7[%run_scoped3A_17, %dma_start3A_453] : memref<4x128xi32, #tpu.memory_space<vmem>> -> memref<1x128xi32, #tpu.memory_space<vmem>>
      %dma_start3A_455 = tpu.memref_squeeze %dma_start3A_454 : memref<1x128xi32, #tpu.memory_space<vmem>> -> memref<128xi32, #tpu.memory_space<vmem>>
      %dma_start3A_456 = tpu.memref_slice %arg3[%add3A_15] : memref<16384xi32, #tpu.memory_space<hbm>> -> memref<128xi32, #tpu.memory_space<hbm>>
      tpu.enqueue_dma source(%dma_start3A_456 : memref<128xi32, #tpu.memory_space<hbm>>) target(%dma_start3A_455 : memref<128xi32, #tpu.memory_space<vmem>>) target_semaphore(%run_scoped3A_448 : memref<!tpu.dma_semaphore, #tpu.memory_space<semaphore_mem>>)
      %dma_wait3A_457 = arith.constant 0 : i32
      %dma_wait3A_458 = tpu.memref_slice %arg7[%run_scoped3A_17, %dma_wait3A_457] : memref<4x128xi32, #tpu.memory_space<vmem>> -> memref<1x128xi32, #tpu.memory_space<vmem>>
      %dma_wait3A_459 = tpu.memref_squeeze %dma_wait3A_458 : memref<1x128xi32, #tpu.memory_space<vmem>> -> memref<128xi32, #tpu.memory_space<vmem>>
      %dma_wait3A_460 = tpu.memref_slice %arg3[%add3A_15] : memref<16384xi32, #tpu.memory_space<hbm>> -> memref<128xi32, #tpu.memory_space<hbm>>
      %dma_wait3A_461 = arith.constant 0 : i32
      %dma_wait3A_462 = tpu.memref_slice %arg7[%run_scoped3A_17, %dma_wait3A_461] : memref<4x128xi32, #tpu.memory_space<vmem>> -> memref<1x128xi32, #tpu.memory_space<vmem>>
      %dma_wait3A_463 = tpu.memref_squeeze %dma_wait3A_462 : memref<1x128xi32, #tpu.memory_space<vmem>> -> memref<128xi32, #tpu.memory_space<vmem>>
      %dma_wait3A_464 = tpu.memref_slice %arg3[%add3A_15] : memref<16384xi32, #tpu.memory_space<hbm>> -> memref<128xi32, #tpu.memory_space<hbm>>
      tpu.wait_dma2 semaphore(%run_scoped3A_448 : memref<!tpu.dma_semaphore, #tpu.memory_space<semaphore_mem>>) src(%dma_wait3A_464 : memref<128xi32, #tpu.memory_space<hbm>>) dst(%dma_wait3A_463 : memref<128xi32, #tpu.memory_space<vmem>>)
      tpu.yield
    }) : () -> ()
    %iota3A = tpu.iota {dimensions = array<i32: 0>} : vector<16xi32>
    %get3A = arith.constant 0 : i32
    %get3A_18 = arith.constant 0 : i32
    %get3A_19 = tpu.memref_slice %arg11[%get3A, %get3A_18] : memref<4x128xi32, #tpu.memory_space<vmem>> -> memref<1x128xi32, #tpu.memory_space<vmem>>
    %get3A_20 = tpu.memref_squeeze %get3A_19 : memref<1x128xi32, #tpu.memory_space<vmem>> -> memref<128xi32, #tpu.memory_space<vmem>>
    %get3A_21 = arith.constant 0 : index
    %get3A_22 = tpu.vector_load %get3A_20[%get3A_21] {strides = array<i32>} : memref<128xi32, #tpu.memory_space<vmem>>, vector<16xi32>,
    %get3A_23 = arith.constant 0 : i32
    %get3A_24 = arith.constant 0 : i32
    %get3A_25 = tpu.memref_slice %arg7[%get3A_23, %get3A_24] : memref<4x128xi32, #tpu.memory_space<vmem>> -> memref<1x128xi32, #tpu.memory_space<vmem>>
    %get3A_26 = tpu.memref_squeeze %get3A_25 : memref<1x128xi32, #tpu.memory_space<vmem>> -> memref<128xi32, #tpu.memory_space<vmem>>
    %get3A_27 = arith.constant 0 : index
    %get3A_28 = tpu.vector_load %get3A_26[%get3A_27] {strides = array<i32>} : memref<128xi32, #tpu.memory_space<vmem>>, vector<16xi32>,
    %slice3A = vector.extract_strided_slice %get3A_22 {offsets = [0], sizes = [1], strides = [1]} : vector<16xi32> to vector<1xi32>
    %squeeze3A = vector.extract %slice3A[0] : i32 from vector<1xi32>
    %dma_start3A = arith.constant 0 : i32
    %dma_start3A_29 = arith.constant 0 : i32
    %dma_start3A_30 = tpu.memref_slice %arg12[%dma_start3A, %dma_start3A_29] : memref<512x32xf32, #tpu.memory_space<vmem>> -> memref<1x32xf32, #tpu.memory_space<vmem>>
    %dma_start3A_31 = arith.constant 0 : i32
    %dma_start3A_32 = tpu.memref_slice %arg4[%squeeze3A, %dma_start3A_31] : memref<1000000x32xf32, #tpu.memory_space<hbm>> -> memref<1x32xf32, #tpu.memory_space<hbm>>
    %dma_start3A_33 = arith.constant 0 : i32
    %dma_start3A_34 = arith.constant 0 : i32
    %dma_start3A_35 = tpu.memref_slice %arg12[%dma_start3A_33, %dma_start3A_34] : memref<512x32xf32, #tpu.memory_space<vmem>> -> memref<1x32xf32, #tpu.memory_space<vmem>>
    %dma_start3A_36 = arith.constant 0 : i32
    %dma_start3A_37 = tpu.memref_slice %arg4[%squeeze3A, %dma_start3A_36] : memref<1000000x32xf32, #tpu.memory_space<hbm>> -> memref<1x32xf32, #tpu.memory_space<hbm>>
    tpu.enqueue_dma source(%dma_start3A_37 : memref<1x32xf32, #tpu.memory_space<hbm>>) target(%dma_start3A_35 : memref<1x32xf32, #tpu.memory_space<vmem>>) target_semaphore(%arg10 : memref<!tpu.dma_semaphore, #tpu.memory_space<semaphore_mem>>)
    %slice3A_38 = vector.extract_strided_slice %get3A_28 {offsets = [0], sizes = [1], strides = [1]} : vector<16xi32> to vector<1xi32>
    %squeeze3A_39 = vector.extract %slice3A_38[0] : i32 from vector<1xi32>
    %dma_start3A_40 = arith.constant 0 : i32
    %dma_start3A_41 = arith.constant 0 : i32
    %dma_start3A_42 = tpu.memref_slice %arg8[%dma_start3A_40, %dma_start3A_41] : memref<512x32xf32, #tpu.memory_space<vmem>> -> memref<1x32xf32, #tpu.memory_space<vmem>>
    %dma_start3A_43 = arith.constant 0 : i32
    %dma_start3A_44 = tpu.memref_slice %arg5[%squeeze3A_39, %dma_start3A_43] : memref<1000000x32xf32, #tpu.memory_space<hbm>> -> memref<1x32xf32, #tpu.memory_space<hbm>>
    %dma_start3A_45 = arith.constant 0 : i32
    %dma_start3A_46 = arith.constant 0 : i32
    %dma_start3A_47 = tpu.memref_slice %arg8[%dma_start3A_45, %dma_start3A_46] : memref<512x32xf32, #tpu.memory_space<vmem>> -> memref<1x32xf32, #tpu.memory_space<vmem>>
    %dma_start3A_48 = arith.constant 0 : i32
    %dma_start3A_49 = tpu.memref_slice %arg5[%squeeze3A_39, %dma_start3A_48] : memref<1000000x32xf32, #tpu.memory_space<hbm>> -> memref<1x32xf32, #tpu.memory_space<hbm>>
    tpu.enqueue_dma source(%dma_start3A_49 : memref<1x32xf32, #tpu.memory_space<hbm>>) target(%dma_start3A_47 : memref<1x32xf32, #tpu.memory_space<vmem>>) target_semaphore(%arg10 : memref<!tpu.dma_semaphore, #tpu.memory_space<semaphore_mem>>)
    %slice3A_50 = vector.extract_strided_slice %get3A_22 {offsets = [1], sizes = [1], strides = [1]} : vector<16xi32> to vector<1xi32>
    %squeeze3A_51 = vector.extract %slice3A_50[0] : i32 from vector<1xi32>
    %dma_start3A_52 = arith.constant 1 : i32
    %dma_start3A_53 = arith.constant 0 : i32
    %dma_start3A_54 = tpu.memref_slice %arg12[%dma_start3A_52, %dma_start3A_53] : memref<512x32xf32, #tpu.memory_space<vmem>> -> memref<1x32xf32, #tpu.memory_space<vmem>>
    %dma_start3A_55 = arith.constant 0 : i32
    %dma_start3A_56 = tpu.memref_slice %arg4[%squeeze3A_51, %dma_start3A_55] : memref<1000000x32xf32, #tpu.memory_space<hbm>> -> memref<1x32xf32, #tpu.memory_space<hbm>>
    %dma_start3A_57 = arith.constant 1 : i32
    %dma_start3A_58 = arith.constant 0 : i32
    %dma_start3A_59 = tpu.memref_slice %arg12[%dma_start3A_57, %dma_start3A_58] : memref<512x32xf32, #tpu.memory_space<vmem>> -> memref<1x32xf32, #tpu.memory_space<vmem>>
    %dma_start3A_60 = arith.constant 0 : i32
    %dma_start3A_61 = tpu.memref_slice %arg4[%squeeze3A_51, %dma_start3A_60] : memref<1000000x32xf32, #tpu.memory_space<hbm>> -> memref<1x32xf32, #tpu.memory_space<hbm>>
    tpu.enqueue_dma source(%dma_start3A_61 : memref<1x32xf32, #tpu.memory_space<hbm>>) target(%dma_start3A_59 : memref<1x32xf32, #tpu.memory_space<vmem>>) target_semaphore(%arg10 : memref<!tpu.dma_semaphore, #tpu.memory_space<semaphore_mem>>)
    %slice3A_62 = vector.extract_strided_slice %get3A_28 {offsets = [1], sizes = [1], strides = [1]} : vector<16xi32> to vector<1xi32>
    %squeeze3A_63 = vector.extract %slice3A_62[0] : i32 from vector<1xi32>
    %dma_start3A_64 = arith.constant 1 : i32
    %dma_start3A_65 = arith.constant 0 : i32
    %dma_start3A_66 = tpu.memref_slice %arg8[%dma_start3A_64, %dma_start3A_65] : memref<512x32xf32, #tpu.memory_space<vmem>> -> memref<1x32xf32, #tpu.memory_space<vmem>>
    %dma_start3A_67 = arith.constant 0 : i32
    %dma_start3A_68 = tpu.memref_slice %arg5[%squeeze3A_63, %dma_start3A_67] : memref<1000000x32xf32, #tpu.memory_space<hbm>> -> memref<1x32xf32, #tpu.memory_space<hbm>>
    %dma_start3A_69 = arith.constant 1 : i32
    %dma_start3A_70 = arith.constant 0 : i32
    %dma_start3A_71 = tpu.memref_slice %arg8[%dma_start3A_69, %dma_start3A_70] : memref<512x32xf32, #tpu.memory_space<vmem>> -> memref<1x32xf32, #tpu.memory_space<vmem>>
    %dma_start3A_72 = arith.constant 0 : i32
    %dma_start3A_73 = tpu.memref_slice %arg5[%squeeze3A_63, %dma_start3A_72] : memref<1000000x32xf32, #tpu.memory_space<hbm>> -> memref<1x32xf32, #tpu.memory_space<hbm>>
    tpu.enqueue_dma source(%dma_start3A_73 : memref<1x32xf32, #tpu.memory_space<hbm>>) target(%dma_start3A_71 : memref<1x32xf32, #tpu.memory_space<vmem>>) target_semaphore(%arg10 : memref<!tpu.dma_semaphore, #tpu.memory_space<semaphore_mem>>)
    %slice3A_74 = vector.extract_strided_slice %get3A_22 {offsets = [2], sizes = [1], strides = [1]} : vector<16xi32> to vector<1xi32>
    %squeeze3A_75 = vector.extract %slice3A_74[0] : i32 from vector<1xi32>
    %dma_start3A_76 = arith.constant 2 : i32
    %dma_start3A_77 = arith.constant 0 : i32
    %dma_start3A_78 = tpu.memref_slice %arg12[%dma_start3A_76, %dma_start3A_77] : memref<512x32xf32, #tpu.memory_space<vmem>> -> memref<1x32xf32, #tpu.memory_space<vmem>>
    %dma_start3A_79 = arith.constant 0 : i32
    %dma_start3A_80 = tpu.memref_slice %arg4[%squeeze3A_75, %dma_start3A_79] : memref<1000000x32xf32, #tpu.memory_space<hbm>> -> memref<1x32xf32, #tpu.memory_space<hbm>>
    %dma_start3A_81 = arith.constant 2 : i32
    %dma_start3A_82 = arith.constant 0 : i32
    %dma_start3A_83 = tpu.memref_slice %arg12[%dma_start3A_81, %dma_start3A_82] : memref<512x32xf32, #tpu.memory_space<vmem>> -> memref<1x32xf32, #tpu.memory_space<vmem>>
    %dma_start3A_84 = arith.constant 0 : i32
    %dma_start3A_85 = tpu.memref_slice %arg4[%squeeze3A_75, %dma_start3A_84] : memref<1000000x32xf32, #tpu.memory_space<hbm>> -> memref<1x32xf32, #tpu.memory_space<hbm>>
    tpu.enqueue_dma source(%dma_start3A_85 : memref<1x32xf32, #tpu.memory_space<hbm>>) target(%dma_start3A_83 : memref<1x32xf32, #tpu.memory_space<vmem>>) target_semaphore(%arg10 : memref<!tpu.dma_semaphore, #tpu.memory_space<semaphore_mem>>)
    %slice3A_86 = vector.extract_strided_slice %get3A_28 {offsets = [2], sizes = [1], strides = [1]} : vector<16xi32> to vector<1xi32>
    %squeeze3A_87 = vector.extract %slice3A_86[0] : i32 from vector<1xi32>
    %dma_start3A_88 = arith.constant 2 : i32
    %dma_start3A_89 = arith.constant 0 : i32
    %dma_start3A_90 = tpu.memref_slice %arg8[%dma_start3A_88, %dma_start3A_89] : memref<512x32xf32, #tpu.memory_space<vmem>> -> memref<1x32xf32, #tpu.memory_space<vmem>>
    %dma_start3A_91 = arith.constant 0 : i32
    %dma_start3A_92 = tpu.memref_slice %arg5[%squeeze3A_87, %dma_start3A_91] : memref<1000000x32xf32, #tpu.memory_space<hbm>> -> memref<1x32xf32, #tpu.memory_space<hbm>>
    %dma_start3A_93 = arith.constant 2 : i32
    %dma_start3A_94 = arith.constant 0 : i32
    %dma_start3A_95 = tpu.memref_slice %arg8[%dma_start3A_93, %dma_start3A_94] : memref<512x32xf32, #tpu.memory_space<vmem>> -> memref<1x32xf32, #tpu.memory_space<vmem>>
    %dma_start3A_96 = arith.constant 0 : i32
    %dma_start3A_97 = tpu.memref_slice %arg5[%squeeze3A_87, %dma_start3A_96] : memref<1000000x32xf32, #tpu.memory_space<hbm>> -> memref<1x32xf32, #tpu.memory_space<hbm>>
    tpu.enqueue_dma source(%dma_start3A_97 : memref<1x32xf32, #tpu.memory_space<hbm>>) target(%dma_start3A_95 : memref<1x32xf32, #tpu.memory_space<vmem>>) target_semaphore(%arg10 : memref<!tpu.dma_semaphore, #tpu.memory_space<semaphore_mem>>)
    %slice3A_98 = vector.extract_strided_slice %get3A_22 {offsets = [3], sizes = [1], strides = [1]} : vector<16xi32> to vector<1xi32>
    %squeeze3A_99 = vector.extract %slice3A_98[0] : i32 from vector<1xi32>
    %dma_start3A_100 = arith.constant 3 : i32
    %dma_start3A_101 = arith.constant 0 : i32
    %dma_start3A_102 = tpu.memref_slice %arg12[%dma_start3A_100, %dma_start3A_101] : memref<512x32xf32, #tpu.memory_space<vmem>> -> memref<1x32xf32, #tpu.memory_space<vmem>>
    %dma_start3A_103 = arith.constant 0 : i32
    %dma_start3A_104 = tpu.memref_slice %arg4[%squeeze3A_99, %dma_start3A_103] : memref<1000000x32xf32, #tpu.memory_space<hbm>> -> memref<1x32xf32, #tpu.memory_space<hbm>>
    %dma_start3A_105 = arith.constant 3 : i32
    %dma_start3A_106 = arith.constant 0 : i32
    %dma_start3A_107 = tpu.memref_slice %arg12[%dma_start3A_105, %dma_start3A_106] : memref<512x32xf32, #tpu.memory_space<vmem>> -> memref<1x32xf32, #tpu.memory_space<vmem>>
    %dma_start3A_108 = arith.constant 0 : i32
    %dma_start3A_109 = tpu.memref_slice %arg4[%squeeze3A_99, %dma_start3A_108] : memref<1000000x32xf32, #tpu.memory_space<hbm>> -> memref<1x32xf32, #tpu.memory_space<hbm>>
    tpu.enqueue_dma source(%dma_start3A_109 : memref<1x32xf32, #tpu.memory_space<hbm>>) target(%dma_start3A_107 : memref<1x32xf32, #tpu.memory_space<vmem>>) target_semaphore(%arg10 : memref<!tpu.dma_semaphore, #tpu.memory_space<semaphore_mem>>)
    %slice3A_110 = vector.extract_strided_slice %get3A_28 {offsets = [3], sizes = [1], strides = [1]} : vector<16xi32> to vector<1xi32>
    %squeeze3A_111 = vector.extract %slice3A_110[0] : i32 from vector<1xi32>
    %dma_start3A_112 = arith.constant 3 : i32
    %dma_start3A_113 = arith.constant 0 : i32
    %dma_start3A_114 = tpu.memref_slice %arg8[%dma_start3A_112, %dma_start3A_113] : memref<512x32xf32, #tpu.memory_space<vmem>> -> memref<1x32xf32, #tpu.memory_space<vmem>>
    %dma_start3A_115 = arith.constant 0 : i32
    %dma_start3A_116 = tpu.memref_slice %arg5[%squeeze3A_111, %dma_start3A_115] : memref<1000000x32xf32, #tpu.memory_space<hbm>> -> memref<1x32xf32, #tpu.memory_space<hbm>>
    %dma_start3A_117 = arith.constant 3 : i32
    %dma_start3A_118 = arith.constant 0 : i32
    %dma_start3A_119 = tpu.memref_slice %arg8[%dma_start3A_117, %dma_start3A_118] : memref<512x32xf32, #tpu.memory_space<vmem>> -> memref<1x32xf32, #tpu.memory_space<vmem>>
    %dma_start3A_120 = arith.constant 0 : i32
    %dma_start3A_121 = tpu.memref_slice %arg5[%squeeze3A_111, %dma_start3A_120] : memref<1000000x32xf32, #tpu.memory_space<hbm>> -> memref<1x32xf32, #tpu.memory_space<hbm>>
    tpu.enqueue_dma source(%dma_start3A_121 : memref<1x32xf32, #tpu.memory_space<hbm>>) target(%dma_start3A_119 : memref<1x32xf32, #tpu.memory_space<vmem>>) target_semaphore(%arg10 : memref<!tpu.dma_semaphore, #tpu.memory_space<semaphore_mem>>)
    %slice3A_122 = vector.extract_strided_slice %get3A_22 {offsets = [4], sizes = [1], strides = [1]} : vector<16xi32> to vector<1xi32>
    %squeeze3A_123 = vector.extract %slice3A_122[0] : i32 from vector<1xi32>
    %dma_start3A_124 = arith.constant 4 : i32
    %dma_start3A_125 = arith.constant 0 : i32
    %dma_start3A_126 = tpu.memref_slice %arg12[%dma_start3A_124, %dma_start3A_125] : memref<512x32xf32, #tpu.memory_space<vmem>> -> memref<1x32xf32, #tpu.memory_space<vmem>>
    %dma_start3A_127 = arith.constant 0 : i32
    %dma_start3A_128 = tpu.memref_slice %arg4[%squeeze3A_123, %dma_start3A_127] : memref<1000000x32xf32, #tpu.memory_space<hbm>> -> memref<1x32xf32, #tpu.memory_space<hbm>>
    %dma_start3A_129 = arith.constant 4 : i32
    %dma_start3A_130 = arith.constant 0 : i32
    %dma_start3A_131 = tpu.memref_slice %arg12[%dma_start3A_129, %dma_start3A_130] : memref<512x32xf32, #tpu.memory_space<vmem>> -> memref<1x32xf32, #tpu.memory_space<vmem>>
    %dma_start3A_132 = arith.constant 0 : i32
    %dma_start3A_133 = tpu.memref_slice %arg4[%squeeze3A_123, %dma_start3A_132] : memref<1000000x32xf32, #tpu.memory_space<hbm>> -> memref<1x32xf32, #tpu.memory_space<hbm>>
    tpu.enqueue_dma source(%dma_start3A_133 : memref<1x32xf32, #tpu.memory_space<hbm>>) target(%dma_start3A_131 : memref<1x32xf32, #tpu.memory_space<vmem>>) target_semaphore(%arg10 : memref<!tpu.dma_semaphore, #tpu.memory_space<semaphore_mem>>)
    %slice3A_134 = vector.extract_strided_slice %get3A_28 {offsets = [4], sizes = [1], strides = [1]} : vector<16xi32> to vector<1xi32>
    %squeeze3A_135 = vector.extract %slice3A_134[0] : i32 from vector<1xi32>
    %dma_start3A_136 = arith.constant 4 : i32
    %dma_start3A_137 = arith.constant 0 : i32
    %dma_start3A_138 = tpu.memref_slice %arg8[%dma_start3A_136, %dma_start3A_137] : memref<512x32xf32, #tpu.memory_space<vmem>> -> memref<1x32xf32, #tpu.memory_space<vmem>>
    %dma_start3A_139 = arith.constant 0 : i32
    %dma_start3A_140 = tpu.memref_slice %arg5[%squeeze3A_135, %dma_start3A_139] : memref<1000000x32xf32, #tpu.memory_space<hbm>> -> memref<1x32xf32, #tpu.memory_space<hbm>>
    %dma_start3A_141 = arith.constant 4 : i32
    %dma_start3A_142 = arith.constant 0 : i32
    %dma_start3A_143 = tpu.memref_slice %arg8[%dma_start3A_141, %dma_start3A_142] : memref<512x32xf32, #tpu.memory_space<vmem>> -> memref<1x32xf32, #tpu.memory_space<vmem>>
    %dma_start3A_144 = arith.constant 0 : i32
    %dma_start3A_145 = tpu.memref_slice %arg5[%squeeze3A_135, %dma_start3A_144] : memref<1000000x32xf32, #tpu.memory_space<hbm>> -> memref<1x32xf32, #tpu.memory_space<hbm>>
    tpu.enqueue_dma source(%dma_start3A_145 : memref<1x32xf32, #tpu.memory_space<hbm>>) target(%dma_start3A_143 : memref<1x32xf32, #tpu.memory_space<vmem>>) target_semaphore(%arg10 : memref<!tpu.dma_semaphore, #tpu.memory_space<semaphore_mem>>)
    %slice3A_146 = vector.extract_strided_slice %get3A_22 {offsets = [5], sizes = [1], strides = [1]} : vector<16xi32> to vector<1xi32>
    %squeeze3A_147 = vector.extract %slice3A_146[0] : i32 from vector<1xi32>
    %dma_start3A_148 = arith.constant 5 : i32
    %dma_start3A_149 = arith.constant 0 : i32
    %dma_start3A_150 = tpu.memref_slice %arg12[%dma_start3A_148, %dma_start3A_149] : memref<512x32xf32, #tpu.memory_space<vmem>> -> memref<1x32xf32, #tpu.memory_space<vmem>>
    %dma_start3A_151 = arith.constant 0 : i32
    %dma_start3A_152 = tpu.memref_slice %arg4[%squeeze3A_147, %dma_start3A_151] : memref<1000000x32xf32, #tpu.memory_space<hbm>> -> memref<1x32xf32, #tpu.memory_space<hbm>>
    %dma_start3A_153 = arith.constant 5 : i32
    %dma_start3A_154 = arith.constant 0 : i32
    %dma_start3A_155 = tpu.memref_slice %arg12[%dma_start3A_153, %dma_start3A_154] : memref<512x32xf32, #tpu.memory_space<vmem>> -> memref<1x32xf32, #tpu.memory_space<vmem>>
    %dma_start3A_156 = arith.constant 0 : i32
    %dma_start3A_157 = tpu.memref_slice %arg4[%squeeze3A_147, %dma_start3A_156] : memref<1000000x32xf32, #tpu.memory_space<hbm>> -> memref<1x32xf32, #tpu.memory_space<hbm>>
    tpu.enqueue_dma source(%dma_start3A_157 : memref<1x32xf32, #tpu.memory_space<hbm>>) target(%dma_start3A_155 : memref<1x32xf32, #tpu.memory_space<vmem>>) target_semaphore(%arg10 : memref<!tpu.dma_semaphore, #tpu.memory_space<semaphore_mem>>)
    %slice3A_158 = vector.extract_strided_slice %get3A_28 {offsets = [5], sizes = [1], strides = [1]} : vector<16xi32> to vector<1xi32>
    %squeeze3A_159 = vector.extract %slice3A_158[0] : i32 from vector<1xi32>
    %dma_start3A_160 = arith.constant 5 : i32
    %dma_start3A_161 = arith.constant 0 : i32
    %dma_start3A_162 = tpu.memref_slice %arg8[%dma_start3A_160, %dma_start3A_161] : memref<512x32xf32, #tpu.memory_space<vmem>> -> memref<1x32xf32, #tpu.memory_space<vmem>>
    %dma_start3A_163 = arith.constant 0 : i32
    %dma_start3A_164 = tpu.memref_slice %arg5[%squeeze3A_159, %dma_start3A_163] : memref<1000000x32xf32, #tpu.memory_space<hbm>> -> memref<1x32xf32, #tpu.memory_space<hbm>>
    %dma_start3A_165 = arith.constant 5 : i32
    %dma_start3A_166 = arith.constant 0 : i32
    %dma_start3A_167 = tpu.memref_slice %arg8[%dma_start3A_165, %dma_start3A_166] : memref<512x32xf32, #tpu.memory_space<vmem>> -> memref<1x32xf32, #tpu.memory_space<vmem>>
    %dma_start3A_168 = arith.constant 0 : i32
    %dma_start3A_169 = tpu.memref_slice %arg5[%squeeze3A_159, %dma_start3A_168] : memref<1000000x32xf32, #tpu.memory_space<hbm>> -> memref<1x32xf32, #tpu.memory_space<hbm>>
    tpu.enqueue_dma source(%dma_start3A_169 : memref<1x32xf32, #tpu.memory_space<hbm>>) target(%dma_start3A_167 : memref<1x32xf32, #tpu.memory_space<vmem>>) target_semaphore(%arg10 : memref<!tpu.dma_semaphore, #tpu.memory_space<semaphore_mem>>)
    %slice3A_170 = vector.extract_strided_slice %get3A_22 {offsets = [6], sizes = [1], strides = [1]} : vector<16xi32> to vector<1xi32>
    %squeeze3A_171 = vector.extract %slice3A_170[0] : i32 from vector<1xi32>
    %dma_start3A_172 = arith.constant 6 : i32
    %dma_start3A_173 = arith.constant 0 : i32
    %dma_start3A_174 = tpu.memref_slice %arg12[%dma_start3A_172, %dma_start3A_173] : memref<512x32xf32, #tpu.memory_space<vmem>> -> memref<1x32xf32, #tpu.memory_space<vmem>>
    %dma_start3A_175 = arith.constant 0 : i32
    %dma_start3A_176 = tpu.memref_slice %arg4[%squeeze3A_171, %dma_start3A_175] : memref<1000000x32xf32, #tpu.memory_space<hbm>> -> memref<1x32xf32, #tpu.memory_space<hbm>>
    %dma_start3A_177 = arith.constant 6 : i32
    %dma_start3A_178 = arith.constant 0 : i32
    %dma_start3A_179 = tpu.memref_slice %arg12[%dma_start3A_177, %dma_start3A_178] : memref<512x32xf32, #tpu.memory_space<vmem>> -> memref<1x32xf32, #tpu.memory_space<vmem>>
    %dma_start3A_180 = arith.constant 0 : i32
    %dma_start3A_181 = tpu.memref_slice %arg4[%squeeze3A_171, %dma_start3A_180] : memref<1000000x32xf32, #tpu.memory_space<hbm>> -> memref<1x32xf32, #tpu.memory_space<hbm>>
    tpu.enqueue_dma source(%dma_start3A_181 : memref<1x32xf32, #tpu.memory_space<hbm>>) target(%dma_start3A_179 : memref<1x32xf32, #tpu.memory_space<vmem>>) target_semaphore(%arg10 : memref<!tpu.dma_semaphore, #tpu.memory_space<semaphore_mem>>)
    %slice3A_182 = vector.extract_strided_slice %get3A_28 {offsets = [6], sizes = [1], strides = [1]} : vector<16xi32> to vector<1xi32>
    %squeeze3A_183 = vector.extract %slice3A_182[0] : i32 from vector<1xi32>
    %dma_start3A_184 = arith.constant 6 : i32
    %dma_start3A_185 = arith.constant 0 : i32
    %dma_start3A_186 = tpu.memref_slice %arg8[%dma_start3A_184, %dma_start3A_185] : memref<512x32xf32, #tpu.memory_space<vmem>> -> memref<1x32xf32, #tpu.memory_space<vmem>>
    %dma_start3A_187 = arith.constant 0 : i32
    %dma_start3A_188 = tpu.memref_slice %arg5[%squeeze3A_183, %dma_start3A_187] : memref<1000000x32xf32, #tpu.memory_space<hbm>> -> memref<1x32xf32, #tpu.memory_space<hbm>>
    %dma_start3A_189 = arith.constant 6 : i32
    %dma_start3A_190 = arith.constant 0 : i32
    %dma_start3A_191 = tpu.memref_slice %arg8[%dma_start3A_189, %dma_start3A_190] : memref<512x32xf32, #tpu.memory_space<vmem>> -> memref<1x32xf32, #tpu.memory_space<vmem>>
    %dma_start3A_192 = arith.constant 0 : i32
    %dma_start3A_193 = tpu.memref_slice %arg5[%squeeze3A_183, %dma_start3A_192] : memref<1000000x32xf32, #tpu.memory_space<hbm>> -> memref<1x32xf32, #tpu.memory_space<hbm>>
    tpu.enqueue_dma source(%dma_start3A_193 : memref<1x32xf32, #tpu.memory_space<hbm>>) target(%dma_start3A_191 : memref<1x32xf32, #tpu.memory_space<vmem>>) target_semaphore(%arg10 : memref<!tpu.dma_semaphore, #tpu.memory_space<semaphore_mem>>)
    %slice3A_194 = vector.extract_strided_slice %get3A_22 {offsets = [7], sizes = [1], strides = [1]} : vector<16xi32> to vector<1xi32>
    %squeeze3A_195 = vector.extract %slice3A_194[0] : i32 from vector<1xi32>
    %dma_start3A_196 = arith.constant 7 : i32
    %dma_start3A_197 = arith.constant 0 : i32
    %dma_start3A_198 = tpu.memref_slice %arg12[%dma_start3A_196, %dma_start3A_197] : memref<512x32xf32, #tpu.memory_space<vmem>> -> memref<1x32xf32, #tpu.memory_space<vmem>>
    %dma_start3A_199 = arith.constant 0 : i32
    %dma_start3A_200 = tpu.memref_slice %arg4[%squeeze3A_195, %dma_start3A_199] : memref<1000000x32xf32, #tpu.memory_space<hbm>> -> memref<1x32xf32, #tpu.memory_space<hbm>>
    %dma_start3A_201 = arith.constant 7 : i32
    %dma_start3A_202 = arith.constant 0 : i32
    %dma_start3A_203 = tpu.memref_slice %arg12[%dma_start3A_201, %dma_start3A_202] : memref<512x32xf32, #tpu.memory_space<vmem>> -> memref<1x32xf32, #tpu.memory_space<vmem>>
    %dma_start3A_204 = arith.constant 0 : i32
    %dma_start3A_205 = tpu.memref_slice %arg4[%squeeze3A_195, %dma_start3A_204] : memref<1000000x32xf32, #tpu.memory_space<hbm>> -> memref<1x32xf32, #tpu.memory_space<hbm>>
    tpu.enqueue_dma source(%dma_start3A_205 : memref<1x32xf32, #tpu.memory_space<hbm>>) target(%dma_start3A_203 : memref<1x32xf32, #tpu.memory_space<vmem>>) target_semaphore(%arg10 : memref<!tpu.dma_semaphore, #tpu.memory_space<semaphore_mem>>)
    %slice3A_206 = vector.extract_strided_slice %get3A_28 {offsets = [7], sizes = [1], strides = [1]} : vector<16xi32> to vector<1xi32>
    %squeeze3A_207 = vector.extract %slice3A_206[0] : i32 from vector<1xi32>
    %dma_start3A_208 = arith.constant 7 : i32
    %dma_start3A_209 = arith.constant 0 : i32
    %dma_start3A_210 = tpu.memref_slice %arg8[%dma_start3A_208, %dma_start3A_209] : memref<512x32xf32, #tpu.memory_space<vmem>> -> memref<1x32xf32, #tpu.memory_space<vmem>>
    %dma_start3A_211 = arith.constant 0 : i32
    %dma_start3A_212 = tpu.memref_slice %arg5[%squeeze3A_207, %dma_start3A_211] : memref<1000000x32xf32, #tpu.memory_space<hbm>> -> memref<1x32xf32, #tpu.memory_space<hbm>>
    %dma_start3A_213 = arith.constant 7 : i32
    %dma_start3A_214 = arith.constant 0 : i32
    %dma_start3A_215 = tpu.memref_slice %arg8[%dma_start3A_213, %dma_start3A_214] : memref<512x32xf32, #tpu.memory_space<vmem>> -> memref<1x32xf32, #tpu.memory_space<vmem>>
    %dma_start3A_216 = arith.constant 0 : i32
    %dma_start3A_217 = tpu.memref_slice %arg5[%squeeze3A_207, %dma_start3A_216] : memref<1000000x32xf32, #tpu.memory_space<hbm>> -> memref<1x32xf32, #tpu.memory_space<hbm>>
    tpu.enqueue_dma source(%dma_start3A_217 : memref<1x32xf32, #tpu.memory_space<hbm>>) target(%dma_start3A_215 : memref<1x32xf32, #tpu.memory_space<vmem>>) target_semaphore(%arg10 : memref<!tpu.dma_semaphore, #tpu.memory_space<semaphore_mem>>)
    %slice3A_218 = vector.extract_strided_slice %get3A_22 {offsets = [8], sizes = [1], strides = [1]} : vector<16xi32> to vector<1xi32>
    %squeeze3A_219 = vector.extract %slice3A_218[0] : i32 from vector<1xi32>
    %dma_start3A_220 = arith.constant 8 : i32
    %dma_start3A_221 = arith.constant 0 : i32
    %dma_start3A_222 = tpu.memref_slice %arg12[%dma_start3A_220, %dma_start3A_221] : memref<512x32xf32, #tpu.memory_space<vmem>> -> memref<1x32xf32, #tpu.memory_space<vmem>>
    %dma_start3A_223 = arith.constant 0 : i32
    %dma_start3A_224 = tpu.memref_slice %arg4[%squeeze3A_219, %dma_start3A_223] : memref<1000000x32xf32, #tpu.memory_space<hbm>> -> memref<1x32xf32, #tpu.memory_space<hbm>>
    %dma_start3A_225 = arith.constant 8 : i32
    %dma_start3A_226 = arith.constant 0 : i32
    %dma_start3A_227 = tpu.memref_slice %arg12[%dma_start3A_225, %dma_start3A_226] : memref<512x32xf32, #tpu.memory_space<vmem>> -> memref<1x32xf32, #tpu.memory_space<vmem>>
    %dma_start3A_228 = arith.constant 0 : i32
    %dma_start3A_229 = tpu.memref_slice %arg4[%squeeze3A_219, %dma_start3A_228] : memref<1000000x32xf32, #tpu.memory_space<hbm>> -> memref<1x32xf32, #tpu.memory_space<hbm>>
    tpu.enqueue_dma source(%dma_start3A_229 : memref<1x32xf32, #tpu.memory_space<hbm>>) target(%dma_start3A_227 : memref<1x32xf32, #tpu.memory_space<vmem>>) target_semaphore(%arg10 : memref<!tpu.dma_semaphore, #tpu.memory_space<semaphore_mem>>)
    %slice3A_230 = vector.extract_strided_slice %get3A_28 {offsets = [8], sizes = [1], strides = [1]} : vector<16xi32> to vector<1xi32>
    %squeeze3A_231 = vector.extract %slice3A_230[0] : i32 from vector<1xi32>
    %dma_start3A_232 = arith.constant 8 : i32
    %dma_start3A_233 = arith.constant 0 : i32
    %dma_start3A_234 = tpu.memref_slice %arg8[%dma_start3A_232, %dma_start3A_233] : memref<512x32xf32, #tpu.memory_space<vmem>> -> memref<1x32xf32, #tpu.memory_space<vmem>>
    %dma_start3A_235 = arith.constant 0 : i32
    %dma_start3A_236 = tpu.memref_slice %arg5[%squeeze3A_231, %dma_start3A_235] : memref<1000000x32xf32, #tpu.memory_space<hbm>> -> memref<1x32xf32, #tpu.memory_space<hbm>>
    %dma_start3A_237 = arith.constant 8 : i32
    %dma_start3A_238 = arith.constant 0 : i32
    %dma_start3A_239 = tpu.memref_slice %arg8[%dma_start3A_237, %dma_start3A_238] : memref<512x32xf32, #tpu.memory_space<vmem>> -> memref<1x32xf32, #tpu.memory_space<vmem>>
    %dma_start3A_240 = arith.constant 0 : i32
    %dma_start3A_241 = tpu.memref_slice %arg5[%squeeze3A_231, %dma_start3A_240] : memref<1000000x32xf32, #tpu.memory_space<hbm>> -> memref<1x32xf32, #tpu.memory_space<hbm>>
    tpu.enqueue_dma source(%dma_start3A_241 : memref<1x32xf32, #tpu.memory_space<hbm>>) target(%dma_start3A_239 : memref<1x32xf32, #tpu.memory_space<vmem>>) target_semaphore(%arg10 : memref<!tpu.dma_semaphore, #tpu.memory_space<semaphore_mem>>)
    %slice3A_242 = vector.extract_strided_slice %get3A_22 {offsets = [9], sizes = [1], strides = [1]} : vector<16xi32> to vector<1xi32>
    %squeeze3A_243 = vector.extract %slice3A_242[0] : i32 from vector<1xi32>
    %dma_start3A_244 = arith.constant 9 : i32
    %dma_start3A_245 = arith.constant 0 : i32
    %dma_start3A_246 = tpu.memref_slice %arg12[%dma_start3A_244, %dma_start3A_245] : memref<512x32xf32, #tpu.memory_space<vmem>> -> memref<1x32xf32, #tpu.memory_space<vmem>>
    %dma_start3A_247 = arith.constant 0 : i32
    %dma_start3A_248 = tpu.memref_slice %arg4[%squeeze3A_243, %dma_start3A_247] : memref<1000000x32xf32, #tpu.memory_space<hbm>> -> memref<1x32xf32, #tpu.memory_space<hbm>>
    %dma_start3A_249 = arith.constant 9 : i32
    %dma_start3A_250 = arith.constant 0 : i32
    %dma_start3A_251 = tpu.memref_slice %arg12[%dma_start3A_249, %dma_start3A_250] : memref<512x32xf32, #tpu.memory_space<vmem>> -> memref<1x32xf32, #tpu.memory_space<vmem>>
    %dma_start3A_252 = arith.constant 0 : i32
    %dma_start3A_253 = tpu.memref_slice %arg4[%squeeze3A_243, %dma_start3A_252] : memref<1000000x32xf32, #tpu.memory_space<hbm>> -> memref<1x32xf32, #tpu.memory_space<hbm>>
    tpu.enqueue_dma source(%dma_start3A_253 : memref<1x32xf32, #tpu.memory_space<hbm>>) target(%dma_start3A_251 : memref<1x32xf32, #tpu.memory_space<vmem>>) target_semaphore(%arg10 : memref<!tpu.dma_semaphore, #tpu.memory_space<semaphore_mem>>)
    %slice3A_254 = vector.extract_strided_slice %get3A_28 {offsets = [9], sizes = [1], strides = [1]} : vector<16xi32> to vector<1xi32>
    %squeeze3A_255 = vector.extract %slice3A_254[0] : i32 from vector<1xi32>
    %dma_start3A_256 = arith.constant 9 : i32
    %dma_start3A_257 = arith.constant 0 : i32
    %dma_start3A_258 = tpu.memref_slice %arg8[%dma_start3A_256, %dma_start3A_257] : memref<512x32xf32, #tpu.memory_space<vmem>> -> memref<1x32xf32, #tpu.memory_space<vmem>>
    %dma_start3A_259 = arith.constant 0 : i32
    %dma_start3A_260 = tpu.memref_slice %arg5[%squeeze3A_255, %dma_start3A_259] : memref<1000000x32xf32, #tpu.memory_space<hbm>> -> memref<1x32xf32, #tpu.memory_space<hbm>>
    %dma_start3A_261 = arith.constant 9 : i32
    %dma_start3A_262 = arith.constant 0 : i32
    %dma_start3A_263 = tpu.memref_slice %arg8[%dma_start3A_261, %dma_start3A_262] : memref<512x32xf32, #tpu.memory_space<vmem>> -> memref<1x32xf32, #tpu.memory_space<vmem>>
    %dma_start3A_264 = arith.constant 0 : i32
    %dma_start3A_265 = tpu.memref_slice %arg5[%squeeze3A_255, %dma_start3A_264] : memref<1000000x32xf32, #tpu.memory_space<hbm>> -> memref<1x32xf32, #tpu.memory_space<hbm>>
    tpu.enqueue_dma source(%dma_start3A_265 : memref<1x32xf32, #tpu.memory_space<hbm>>) target(%dma_start3A_263 : memref<1x32xf32, #tpu.memory_space<vmem>>) target_semaphore(%arg10 : memref<!tpu.dma_semaphore, #tpu.memory_space<semaphore_mem>>)
    %slice3A_266 = vector.extract_strided_slice %get3A_22 {offsets = [10], sizes = [1], strides = [1]} : vector<16xi32> to vector<1xi32>
    %squeeze3A_267 = vector.extract %slice3A_266[0] : i32 from vector<1xi32>
    %dma_start3A_268 = arith.constant 10 : i32
    %dma_start3A_269 = arith.constant 0 : i32
    %dma_start3A_270 = tpu.memref_slice %arg12[%dma_start3A_268, %dma_start3A_269] : memref<512x32xf32, #tpu.memory_space<vmem>> -> memref<1x32xf32, #tpu.memory_space<vmem>>
    %dma_start3A_271 = arith.constant 0 : i32
    %dma_start3A_272 = tpu.memref_slice %arg4[%squeeze3A_267, %dma_start3A_271] : memref<1000000x32xf32, #tpu.memory_space<hbm>> -> memref<1x32xf32, #tpu.memory_space<hbm>>
    %dma_start3A_273 = arith.constant 10 : i32
    %dma_start3A_274 = arith.constant 0 : i32
    %dma_start3A_275 = tpu.memref_slice %arg12[%dma_start3A_273, %dma_start3A_274] : memref<512x32xf32, #tpu.memory_space<vmem>> -> memref<1x32xf32, #tpu.memory_space<vmem>>
    %dma_start3A_276 = arith.constant 0 : i32
    %dma_start3A_277 = tpu.memref_slice %arg4[%squeeze3A_267, %dma_start3A_276] : memref<1000000x32xf32, #tpu.memory_space<hbm>> -> memref<1x32xf32, #tpu.memory_space<hbm>>
    tpu.enqueue_dma source(%dma_start3A_277 : memref<1x32xf32, #tpu.memory_space<hbm>>) target(%dma_start3A_275 : memref<1x32xf32, #tpu.memory_space<vmem>>) target_semaphore(%arg10 : memref<!tpu.dma_semaphore, #tpu.memory_space<semaphore_mem>>)
    %slice3A_278 = vector.extract_strided_slice %get3A_28 {offsets = [10], sizes = [1], strides = [1]} : vector<16xi32> to vector<1xi32>
    %squeeze3A_279 = vector.extract %slice3A_278[0] : i32 from vector<1xi32>
    %dma_start3A_280 = arith.constant 10 : i32
    %dma_start3A_281 = arith.constant 0 : i32
    %dma_start3A_282 = tpu.memref_slice %arg8[%dma_start3A_280, %dma_start3A_281] : memref<512x32xf32, #tpu.memory_space<vmem>> -> memref<1x32xf32, #tpu.memory_space<vmem>>
    %dma_start3A_283 = arith.constant 0 : i32
    %dma_start3A_284 = tpu.memref_slice %arg5[%squeeze3A_279, %dma_start3A_283] : memref<1000000x32xf32, #tpu.memory_space<hbm>> -> memref<1x32xf32, #tpu.memory_space<hbm>>
    %dma_start3A_285 = arith.constant 10 : i32
    %dma_start3A_286 = arith.constant 0 : i32
    %dma_start3A_287 = tpu.memref_slice %arg8[%dma_start3A_285, %dma_start3A_286] : memref<512x32xf32, #tpu.memory_space<vmem>> -> memref<1x32xf32, #tpu.memory_space<vmem>>
    %dma_start3A_288 = arith.constant 0 : i32
    %dma_start3A_289 = tpu.memref_slice %arg5[%squeeze3A_279, %dma_start3A_288] : memref<1000000x32xf32, #tpu.memory_space<hbm>> -> memref<1x32xf32, #tpu.memory_space<hbm>>
    tpu.enqueue_dma source(%dma_start3A_289 : memref<1x32xf32, #tpu.memory_space<hbm>>) target(%dma_start3A_287 : memref<1x32xf32, #tpu.memory_space<vmem>>) target_semaphore(%arg10 : memref<!tpu.dma_semaphore, #tpu.memory_space<semaphore_mem>>)
    %slice3A_290 = vector.extract_strided_slice %get3A_22 {offsets = [11], sizes = [1], strides = [1]} : vector<16xi32> to vector<1xi32>
    %squeeze3A_291 = vector.extract %slice3A_290[0] : i32 from vector<1xi32>
    %dma_start3A_292 = arith.constant 11 : i32
    %dma_start3A_293 = arith.constant 0 : i32
    %dma_start3A_294 = tpu.memref_slice %arg12[%dma_start3A_292, %dma_start3A_293] : memref<512x32xf32, #tpu.memory_space<vmem>> -> memref<1x32xf32, #tpu.memory_space<vmem>>
    %dma_start3A_295 = arith.constant 0 : i32
    %dma_start3A_296 = tpu.memref_slice %arg4[%squeeze3A_291, %dma_start3A_295] : memref<1000000x32xf32, #tpu.memory_space<hbm>> -> memref<1x32xf32, #tpu.memory_space<hbm>>
    %dma_start3A_297 = arith.constant 11 : i32
    %dma_start3A_298 = arith.constant 0 : i32
    %dma_start3A_299 = tpu.memref_slice %arg12[%dma_start3A_297, %dma_start3A_298] : memref<512x32xf32, #tpu.memory_space<vmem>> -> memref<1x32xf32, #tpu.memory_space<vmem>>
    %dma_start3A_300 = arith.constant 0 : i32
    %dma_start3A_301 = tpu.memref_slice %arg4[%squeeze3A_291, %dma_start3A_300] : memref<1000000x32xf32, #tpu.memory_space<hbm>> -> memref<1x32xf32, #tpu.memory_space<hbm>>
    tpu.enqueue_dma source(%dma_start3A_301 : memref<1x32xf32, #tpu.memory_space<hbm>>) target(%dma_start3A_299 : memref<1x32xf32, #tpu.memory_space<vmem>>) target_semaphore(%arg10 : memref<!tpu.dma_semaphore, #tpu.memory_space<semaphore_mem>>)
    %slice3A_302 = vector.extract_strided_slice %get3A_28 {offsets = [11], sizes = [1], strides = [1]} : vector<16xi32> to vector<1xi32>
    %squeeze3A_303 = vector.extract %slice3A_302[0] : i32 from vector<1xi32>
    %dma_start3A_304 = arith.constant 11 : i32
    %dma_start3A_305 = arith.constant 0 : i32
    %dma_start3A_306 = tpu.memref_slice %arg8[%dma_start3A_304, %dma_start3A_305] : memref<512x32xf32, #tpu.memory_space<vmem>> -> memref<1x32xf32, #tpu.memory_space<vmem>>
    %dma_start3A_307 = arith.constant 0 : i32
    %dma_start3A_308 = tpu.memref_slice %arg5[%squeeze3A_303, %dma_start3A_307] : memref<1000000x32xf32, #tpu.memory_space<hbm>> -> memref<1x32xf32, #tpu.memory_space<hbm>>
    %dma_start3A_309 = arith.constant 11 : i32
    %dma_start3A_310 = arith.constant 0 : i32
    %dma_start3A_311 = tpu.memref_slice %arg8[%dma_start3A_309, %dma_start3A_310] : memref<512x32xf32, #tpu.memory_space<vmem>> -> memref<1x32xf32, #tpu.memory_space<vmem>>
    %dma_start3A_312 = arith.constant 0 : i32
    %dma_start3A_313 = tpu.memref_slice %arg5[%squeeze3A_303, %dma_start3A_312] : memref<1000000x32xf32, #tpu.memory_space<hbm>> -> memref<1x32xf32, #tpu.memory_space<hbm>>
    tpu.enqueue_dma source(%dma_start3A_313 : memref<1x32xf32, #tpu.memory_space<hbm>>) target(%dma_start3A_311 : memref<1x32xf32, #tpu.memory_space<vmem>>) target_semaphore(%arg10 : memref<!tpu.dma_semaphore, #tpu.memory_space<semaphore_mem>>)
    %slice3A_314 = vector.extract_strided_slice %get3A_22 {offsets = [12], sizes = [1], strides = [1]} : vector<16xi32> to vector<1xi32>
    %squeeze3A_315 = vector.extract %slice3A_314[0] : i32 from vector<1xi32>
    %dma_start3A_316 = arith.constant 12 : i32
    %dma_start3A_317 = arith.constant 0 : i32
    %dma_start3A_318 = tpu.memref_slice %arg12[%dma_start3A_316, %dma_start3A_317] : memref<512x32xf32, #tpu.memory_space<vmem>> -> memref<1x32xf32, #tpu.memory_space<vmem>>
    %dma_start3A_319 = arith.constant 0 : i32
    %dma_start3A_320 = tpu.memref_slice %arg4[%squeeze3A_315, %dma_start3A_319] : memref<1000000x32xf32, #tpu.memory_space<hbm>> -> memref<1x32xf32, #tpu.memory_space<hbm>>
    %dma_start3A_321 = arith.constant 12 : i32
    %dma_start3A_322 = arith.constant 0 : i32
    %dma_start3A_323 = tpu.memref_slice %arg12[%dma_start3A_321, %dma_start3A_322] : memref<512x32xf32, #tpu.memory_space<vmem>> -> memref<1x32xf32, #tpu.memory_space<vmem>>
    %dma_start3A_324 = arith.constant 0 : i32
    %dma_start3A_325 = tpu.memref_slice %arg4[%squeeze3A_315, %dma_start3A_324] : memref<1000000x32xf32, #tpu.memory_space<hbm>> -> memref<1x32xf32, #tpu.memory_space<hbm>>
    tpu.enqueue_dma source(%dma_start3A_325 : memref<1x32xf32, #tpu.memory_space<hbm>>) target(%dma_start3A_323 : memref<1x32xf32, #tpu.memory_space<vmem>>) target_semaphore(%arg10 : memref<!tpu.dma_semaphore, #tpu.memory_space<semaphore_mem>>)
    %slice3A_326 = vector.extract_strided_slice %get3A_28 {offsets = [12], sizes = [1], strides = [1]} : vector<16xi32> to vector<1xi32>
    %squeeze3A_327 = vector.extract %slice3A_326[0] : i32 from vector<1xi32>
    %dma_start3A_328 = arith.constant 12 : i32
    %dma_start3A_329 = arith.constant 0 : i32
    %dma_start3A_330 = tpu.memref_slice %arg8[%dma_start3A_328, %dma_start3A_329] : memref<512x32xf32, #tpu.memory_space<vmem>> -> memref<1x32xf32, #tpu.memory_space<vmem>>
    %dma_start3A_331 = arith.constant 0 : i32
    %dma_start3A_332 = tpu.memref_slice %arg5[%squeeze3A_327, %dma_start3A_331] : memref<1000000x32xf32, #tpu.memory_space<hbm>> -> memref<1x32xf32, #tpu.memory_space<hbm>>
    %dma_start3A_333 = arith.constant 12 : i32
    %dma_start3A_334 = arith.constant 0 : i32
    %dma_start3A_335 = tpu.memref_slice %arg8[%dma_start3A_333, %dma_start3A_334] : memref<512x32xf32, #tpu.memory_space<vmem>> -> memref<1x32xf32, #tpu.memory_space<vmem>>
    %dma_start3A_336 = arith.constant 0 : i32
    %dma_start3A_337 = tpu.memref_slice %arg5[%squeeze3A_327, %dma_start3A_336] : memref<1000000x32xf32, #tpu.memory_space<hbm>> -> memref<1x32xf32, #tpu.memory_space<hbm>>
    tpu.enqueue_dma source(%dma_start3A_337 : memref<1x32xf32, #tpu.memory_space<hbm>>) target(%dma_start3A_335 : memref<1x32xf32, #tpu.memory_space<vmem>>) target_semaphore(%arg10 : memref<!tpu.dma_semaphore, #tpu.memory_space<semaphore_mem>>)
    %slice3A_338 = vector.extract_strided_slice %get3A_22 {offsets = [13], sizes = [1], strides = [1]} : vector<16xi32> to vector<1xi32>
    %squeeze3A_339 = vector.extract %slice3A_338[0] : i32 from vector<1xi32>
    %dma_start3A_340 = arith.constant 13 : i32
    %dma_start3A_341 = arith.constant 0 : i32
    %dma_start3A_342 = tpu.memref_slice %arg12[%dma_start3A_340, %dma_start3A_341] : memref<512x32xf32, #tpu.memory_space<vmem>> -> memref<1x32xf32, #tpu.memory_space<vmem>>
    %dma_start3A_343 = arith.constant 0 : i32
    %dma_start3A_344 = tpu.memref_slice %arg4[%squeeze3A_339, %dma_start3A_343] : memref<1000000x32xf32, #tpu.memory_space<hbm>> -> memref<1x32xf32, #tpu.memory_space<hbm>>
    %dma_start3A_345 = arith.constant 13 : i32
    %dma_start3A_346 = arith.constant 0 : i32
    %dma_start3A_347 = tpu.memref_slice %arg12[%dma_start3A_345, %dma_start3A_346] : memref<512x32xf32, #tpu.memory_space<vmem>> -> memref<1x32xf32, #tpu.memory_space<vmem>>
    %dma_start3A_348 = arith.constant 0 : i32
    %dma_start3A_349 = tpu.memref_slice %arg4[%squeeze3A_339, %dma_start3A_348] : memref<1000000x32xf32, #tpu.memory_space<hbm>> -> memref<1x32xf32, #tpu.memory_space<hbm>>
    tpu.enqueue_dma source(%dma_start3A_349 : memref<1x32xf32, #tpu.memory_space<hbm>>) target(%dma_start3A_347 : memref<1x32xf32, #tpu.memory_space<vmem>>) target_semaphore(%arg10 : memref<!tpu.dma_semaphore, #tpu.memory_space<semaphore_mem>>)
    %slice3A_350 = vector.extract_strided_slice %get3A_28 {offsets = [13], sizes = [1], strides = [1]} : vector<16xi32> to vector<1xi32>
    %squeeze3A_351 = vector.extract %slice3A_350[0] : i32 from vector<1xi32>
    %dma_start3A_352 = arith.constant 13 : i32
    %dma_start3A_353 = arith.constant 0 : i32
    %dma_start3A_354 = tpu.memref_slice %arg8[%dma_start3A_352, %dma_start3A_353] : memref<512x32xf32, #tpu.memory_space<vmem>> -> memref<1x32xf32, #tpu.memory_space<vmem>>
    %dma_start3A_355 = arith.constant 0 : i32
    %dma_start3A_356 = tpu.memref_slice %arg5[%squeeze3A_351, %dma_start3A_355] : memref<1000000x32xf32, #tpu.memory_space<hbm>> -> memref<1x32xf32, #tpu.memory_space<hbm>>
    %dma_start3A_357 = arith.constant 13 : i32
    %dma_start3A_358 = arith.constant 0 : i32
    %dma_start3A_359 = tpu.memref_slice %arg8[%dma_start3A_357, %dma_start3A_358] : memref<512x32xf32, #tpu.memory_space<vmem>> -> memref<1x32xf32, #tpu.memory_space<vmem>>
    %dma_start3A_360 = arith.constant 0 : i32
    %dma_start3A_361 = tpu.memref_slice %arg5[%squeeze3A_351, %dma_start3A_360] : memref<1000000x32xf32, #tpu.memory_space<hbm>> -> memref<1x32xf32, #tpu.memory_space<hbm>>
    tpu.enqueue_dma source(%dma_start3A_361 : memref<1x32xf32, #tpu.memory_space<hbm>>) target(%dma_start3A_359 : memref<1x32xf32, #tpu.memory_space<vmem>>) target_semaphore(%arg10 : memref<!tpu.dma_semaphore, #tpu.memory_space<semaphore_mem>>)
    %slice3A_362 = vector.extract_strided_slice %get3A_22 {offsets = [14], sizes = [1], strides = [1]} : vector<16xi32> to vector<1xi32>
    %squeeze3A_363 = vector.extract %slice3A_362[0] : i32 from vector<1xi32>
    %dma_start3A_364 = arith.constant 14 : i32
    %dma_start3A_365 = arith.constant 0 : i32
    %dma_start3A_366 = tpu.memref_slice %arg12[%dma_start3A_364, %dma_start3A_365] : memref<512x32xf32, #tpu.memory_space<vmem>> -> memref<1x32xf32, #tpu.memory_space<vmem>>
    %dma_start3A_367 = arith.constant 0 : i32
    %dma_start3A_368 = tpu.memref_slice %arg4[%squeeze3A_363, %dma_start3A_367] : memref<1000000x32xf32, #tpu.memory_space<hbm>> -> memref<1x32xf32, #tpu.memory_space<hbm>>
    %dma_start3A_369 = arith.constant 14 : i32
    %dma_start3A_370 = arith.constant 0 : i32
    %dma_start3A_371 = tpu.memref_slice %arg12[%dma_start3A_369, %dma_start3A_370] : memref<512x32xf32, #tpu.memory_space<vmem>> -> memref<1x32xf32, #tpu.memory_space<vmem>>
    %dma_start3A_372 = arith.constant 0 : i32
    %dma_start3A_373 = tpu.memref_slice %arg4[%squeeze3A_363, %dma_start3A_372] : memref<1000000x32xf32, #tpu.memory_space<hbm>> -> memref<1x32xf32, #tpu.memory_space<hbm>>
    tpu.enqueue_dma source(%dma_start3A_373 : memref<1x32xf32, #tpu.memory_space<hbm>>) target(%dma_start3A_371 : memref<1x32xf32, #tpu.memory_space<vmem>>) target_semaphore(%arg10 : memref<!tpu.dma_semaphore, #tpu.memory_space<semaphore_mem>>)
    %slice3A_374 = vector.extract_strided_slice %get3A_28 {offsets = [14], sizes = [1], strides = [1]} : vector<16xi32> to vector<1xi32>
    %squeeze3A_375 = vector.extract %slice3A_374[0] : i32 from vector<1xi32>
    %dma_start3A_376 = arith.constant 14 : i32
    %dma_start3A_377 = arith.constant 0 : i32
    %dma_start3A_378 = tpu.memref_slice %arg8[%dma_start3A_376, %dma_start3A_377] : memref<512x32xf32, #tpu.memory_space<vmem>> -> memref<1x32xf32, #tpu.memory_space<vmem>>
    %dma_start3A_379 = arith.constant 0 : i32
    %dma_start3A_380 = tpu.memref_slice %arg5[%squeeze3A_375, %dma_start3A_379] : memref<1000000x32xf32, #tpu.memory_space<hbm>> -> memref<1x32xf32, #tpu.memory_space<hbm>>
    %dma_start3A_381 = arith.constant 14 : i32
    %dma_start3A_382 = arith.constant 0 : i32
    %dma_start3A_383 = tpu.memref_slice %arg8[%dma_start3A_381, %dma_start3A_382] : memref<512x32xf32, #tpu.memory_space<vmem>> -> memref<1x32xf32, #tpu.memory_space<vmem>>
    %dma_start3A_384 = arith.constant 0 : i32
    %dma_start3A_385 = tpu.memref_slice %arg5[%squeeze3A_375, %dma_start3A_384] : memref<1000000x32xf32, #tpu.memory_space<hbm>> -> memref<1x32xf32, #tpu.memory_space<hbm>>
    tpu.enqueue_dma source(%dma_start3A_385 : memref<1x32xf32, #tpu.memory_space<hbm>>) target(%dma_start3A_383 : memref<1x32xf32, #tpu.memory_space<vmem>>) target_semaphore(%arg10 : memref<!tpu.dma_semaphore, #tpu.memory_space<semaphore_mem>>)
    %slice3A_386 = vector.extract_strided_slice %get3A_22 {offsets = [15], sizes = [1], strides = [1]} : vector<16xi32> to vector<1xi32>
    %squeeze3A_387 = vector.extract %slice3A_386[0] : i32 from vector<1xi32>
    %dma_start3A_388 = arith.constant 15 : i32
    %dma_start3A_389 = arith.constant 0 : i32
    %dma_start3A_390 = tpu.memref_slice %arg12[%dma_start3A_388, %dma_start3A_389] : memref<512x32xf32, #tpu.memory_space<vmem>> -> memref<1x32xf32, #tpu.memory_space<vmem>>
    %dma_start3A_391 = arith.constant 0 : i32
    %dma_start3A_392 = tpu.memref_slice %arg4[%squeeze3A_387, %dma_start3A_391] : memref<1000000x32xf32, #tpu.memory_space<hbm>> -> memref<1x32xf32, #tpu.memory_space<hbm>>
    %dma_start3A_393 = arith.constant 15 : i32
    %dma_start3A_394 = arith.constant 0 : i32
    %dma_start3A_395 = tpu.memref_slice %arg12[%dma_start3A_393, %dma_start3A_394] : memref<512x32xf32, #tpu.memory_space<vmem>> -> memref<1x32xf32, #tpu.memory_space<vmem>>
    %dma_start3A_396 = arith.constant 0 : i32
    %dma_start3A_397 = tpu.memref_slice %arg4[%squeeze3A_387, %dma_start3A_396] : memref<1000000x32xf32, #tpu.memory_space<hbm>> -> memref<1x32xf32, #tpu.memory_space<hbm>>
    tpu.enqueue_dma source(%dma_start3A_397 : memref<1x32xf32, #tpu.memory_space<hbm>>) target(%dma_start3A_395 : memref<1x32xf32, #tpu.memory_space<vmem>>) target_semaphore(%arg10 : memref<!tpu.dma_semaphore, #tpu.memory_space<semaphore_mem>>)
    %slice3A_398 = vector.extract_strided_slice %get3A_28 {offsets = [15], sizes = [1], strides = [1]} : vector<16xi32> to vector<1xi32>
    %squeeze3A_399 = vector.extract %slice3A_398[0] : i32 from vector<1xi32>
    %dma_start3A_400 = arith.constant 15 : i32
    %dma_start3A_401 = arith.constant 0 : i32
    %dma_start3A_402 = tpu.memref_slice %arg8[%dma_start3A_400, %dma_start3A_401] : memref<512x32xf32, #tpu.memory_space<vmem>> -> memref<1x32xf32, #tpu.memory_space<vmem>>
    %dma_start3A_403 = arith.constant 0 : i32
    %dma_start3A_404 = tpu.memref_slice %arg5[%squeeze3A_399, %dma_start3A_403] : memref<1000000x32xf32, #tpu.memory_space<hbm>> -> memref<1x32xf32, #tpu.memory_space<hbm>>
    %dma_start3A_405 = arith.constant 15 : i32
    %dma_start3A_406 = arith.constant 0 : i32
    %dma_start3A_407 = tpu.memref_slice %arg8[%dma_start3A_405, %dma_start3A_406] : memref<512x32xf32, #tpu.memory_space<vmem>> -> memref<1x32xf32, #tpu.memory_space<vmem>>
    %dma_start3A_408 = arith.constant 0 : i32
    %dma_start3A_409 = tpu.memref_slice %arg5[%squeeze3A_399, %dma_start3A_408] : memref<1000000x32xf32, #tpu.memory_space<hbm>> -> memref<1x32xf32, #tpu.memory_space<hbm>>
    tpu.enqueue_dma source(%dma_start3A_409 : memref<1x32xf32, #tpu.memory_space<hbm>>) target(%dma_start3A_407 : memref<1x32xf32, #tpu.memory_space<vmem>>) target_semaphore(%arg10 : memref<!tpu.dma_semaphore, #tpu.memory_space<semaphore_mem>>)
    %scan3A = arith.constant 0 : i32
    %scan3A_410 = arith.constant 1 : i32
    %scan3A_411 = arith.constant 31 : i32
    %scan3A_412 = arith.addi %scan3A_410, %scan3A_411 : i32
    %scan3A_413 = arith.constant 1 : i32
    %scan3A_414 = scf.for %scan3A_448 = %scan3A_410 to %scan3A_412 step %scan3A_413 iter_args(%scan3A_449 = %scan3A) -> (i32)  : i32 {
      %jit3A = arith.constant 8 : i32
      %div3A = arith.divsi %scan3A_448, %jit3A : i32
      %sign3A = arith.constant 0 : i32
      %sign3A_450 = arith.cmpi sgt, %scan3A_448, %sign3A : i32
      %sign3A_451 = arith.extui %sign3A_450 : i1 to i32
      %sign3A_452 = arith.constant 0 : i32
      %sign3A_453 = arith.cmpi slt, %scan3A_448, %sign3A_452 : i32
      %sign3A_454 = arith.extui %sign3A_453 : i1 to i32
      %sign3A_455 = arith.subi %sign3A_451, %sign3A_454 : i32
      %sign3A_456 = arith.constant 0 : i32
      %sign3A_457 = arith.cmpi sgt, %jit3A, %sign3A_456 : i32
      %sign3A_458 = arith.extui %sign3A_457 : i1 to i32
      %sign3A_459 = arith.constant 0 : i32
      %sign3A_460 = arith.cmpi slt, %jit3A, %sign3A_459 : i32
      %sign3A_461 = arith.extui %sign3A_460 : i1 to i32
      %sign3A_462 = arith.subi %sign3A_458, %sign3A_461 : i32
      %ne3A = arith.cmpi ne, %sign3A_455, %sign3A_462 : i32
      %rem3A = arith.remsi %scan3A_448, %jit3A : i32
      %ne3A_463 = arith.constant 0 : i32
      %ne3A_464 = arith.cmpi ne, %rem3A, %ne3A_463 : i32
      %and3A = arith.andi %ne3A, %ne3A_464 : i1
      %sub3A = arith.constant 1 : i32
      %sub3A_465 = arith.subi %div3A, %sub3A : i32
      %select_n3A = arith.select %and3A, %sub3A_465, %div3A : i32
      %jit3A_466 = arith.constant 8 : i32
      %eq3A_467 = arith.constant 0 : i32
      %eq3A_468 = arith.cmpi eq, %jit3A_466, %eq3A_467 : i32
      %jit3A_469 = arith.constant 1 : i32
      %select_n3A_470 = arith.select %eq3A_468, %jit3A_469, %jit3A_466 : i32
      %rem3A_471 = arith.remsi %scan3A_448, %select_n3A_470 : i32
      %ne3A_472 = arith.constant 0 : i32
      %ne3A_473 = arith.cmpi ne, %rem3A_471, %ne3A_472 : i32
      %lt3A = arith.constant 0 : i32
      %lt3A_474 = arith.cmpi slt, %rem3A_471, %lt3A : i32
      %lt3A_475 = arith.constant 0 : i32
      %lt3A_476 = arith.cmpi slt, %select_n3A_470, %lt3A_475 : i32
      %ne3A_477 = arith.xori %lt3A_474, %lt3A_476 : i1
      %and3A_478 = arith.andi %ne3A_477, %ne3A_473 : i1
      %add3A_479 = arith.addi %rem3A_471, %select_n3A_470 : i32
      %select_n3A_480 = arith.select %and3A_478, %add3A_479, %rem3A_471 : i32
      %mul3A_481 = arith.constant 16 : i32
      %mul3A_482 = arith.muli %select_n3A_480, %mul3A_481 : i32
      %get3A_483 = arith.constant 0 : i32
      %get3A_484 = tpu.memref_slice %arg11[%select_n3A, %get3A_483] : memref<4x128xi32, #tpu.memory_space<vmem>> -> memref<1x128xi32, #tpu.memory_space<vmem>>
      %get3A_485 = tpu.memref_squeeze %get3A_484 : memref<1x128xi32, #tpu.memory_space<vmem>> -> memref<128xi32, #tpu.memory_space<vmem>>
      %get3A_486 = arith.index_cast %mul3A_482 : i32 to index
      %get3A_487 = tpu.vector_load %get3A_485[%get3A_486] {strides = array<i32>} : memref<128xi32, #tpu.memory_space<vmem>>, vector<16xi32>,
      %mul3A_488 = arith.constant 16 : i32
      %mul3A_489 = arith.muli %select_n3A_480, %mul3A_488 : i32
      %get3A_490 = arith.constant 0 : i32
      %get3A_491 = tpu.memref_slice %arg7[%select_n3A, %get3A_490] : memref<4x128xi32, #tpu.memory_space<vmem>> -> memref<1x128xi32, #tpu.memory_space<vmem>>
      %get3A_492 = tpu.memref_squeeze %get3A_491 : memref<1x128xi32, #tpu.memory_space<vmem>> -> memref<128xi32, #tpu.memory_space<vmem>>
      %get3A_493 = arith.index_cast %mul3A_489 : i32 to index
      %get3A_494 = tpu.vector_load %get3A_492[%get3A_493] {strides = array<i32>} : memref<128xi32, #tpu.memory_space<vmem>>, vector<16xi32>,
      %mul3A_495 = arith.constant 16 : i32
      %mul3A_496 = arith.muli %scan3A_448, %mul3A_495 : i32
      %add3A_497 = arith.constant 0 : i32
      %add3A_498 = arith.addi %mul3A_496, %add3A_497 : i32
      %slice3A_499 = vector.extract_strided_slice %get3A_487 {offsets = [0], sizes = [1], strides = [1]} : vector<16xi32> to vector<1xi32>
      %squeeze3A_500 = vector.extract %slice3A_499[0] : i32 from vector<1xi32>
      %dma_start3A_501 = arith.constant 0 : i32
      %dma_start3A_502 = tpu.memref_slice %arg12[%add3A_498, %dma_start3A_501] : memref<512x32xf32, #tpu.memory_space<vmem>> -> memref<1x32xf32, #tpu.memory_space<vmem>>
      %dma_start3A_503 = arith.constant 0 : i32
      %dma_start3A_504 = tpu.memref_slice %arg4[%squeeze3A_500, %dma_start3A_503] : memref<1000000x32xf32, #tpu.memory_space<hbm>> -> memref<1x32xf32, #tpu.memory_space<hbm>>
      %dma_start3A_505 = arith.constant 0 : i32
      %dma_start3A_506 = tpu.memref_slice %arg12[%add3A_498, %dma_start3A_505] : memref<512x32xf32, #tpu.memory_space<vmem>> -> memref<1x32xf32, #tpu.memory_space<vmem>>
      %dma_start3A_507 = arith.constant 0 : i32
      %dma_start3A_508 = tpu.memref_slice %arg4[%squeeze3A_500, %dma_start3A_507] : memref<1000000x32xf32, #tpu.memory_space<hbm>> -> memref<1x32xf32, #tpu.memory_space<hbm>>
      tpu.enqueue_dma source(%dma_start3A_508 : memref<1x32xf32, #tpu.memory_space<hbm>>) target(%dma_start3A_506 : memref<1x32xf32, #tpu.memory_space<vmem>>) target_semaphore(%arg10 : memref<!tpu.dma_semaphore, #tpu.memory_space<semaphore_mem>>)
      %slice3A_509 = vector.extract_strided_slice %get3A_494 {offsets = [0], sizes = [1], strides = [1]} : vector<16xi32> to vector<1xi32>
      %squeeze3A_510 = vector.extract %slice3A_509[0] : i32 from vector<1xi32>
      %dma_start3A_511 = arith.constant 0 : i32
      %dma_start3A_512 = tpu.memref_slice %arg8[%add3A_498, %dma_start3A_511] : memref<512x32xf32, #tpu.memory_space<vmem>> -> memref<1x32xf32, #tpu.memory_space<vmem>>
      %dma_start3A_513 = arith.constant 0 : i32
      %dma_start3A_514 = tpu.memref_slice %arg5[%squeeze3A_510, %dma_start3A_513] : memref<1000000x32xf32, #tpu.memory_space<hbm>> -> memref<1x32xf32, #tpu.memory_space<hbm>>
      %dma_start3A_515 = arith.constant 0 : i32
      %dma_start3A_516 = tpu.memref_slice %arg8[%add3A_498, %dma_start3A_515] : memref<512x32xf32, #tpu.memory_space<vmem>> -> memref<1x32xf32, #tpu.memory_space<vmem>>
      %dma_start3A_517 = arith.constant 0 : i32
      %dma_start3A_518 = tpu.memref_slice %arg5[%squeeze3A_510, %dma_start3A_517] : memref<1000000x32xf32, #tpu.memory_space<hbm>> -> memref<1x32xf32, #tpu.memory_space<hbm>>
      tpu.enqueue_dma source(%dma_start3A_518 : memref<1x32xf32, #tpu.memory_space<hbm>>) target(%dma_start3A_516 : memref<1x32xf32, #tpu.memory_space<vmem>>) target_semaphore(%arg10 : memref<!tpu.dma_semaphore, #tpu.memory_space<semaphore_mem>>)
      %mul3A_519 = arith.constant 16 : i32
      %mul3A_520 = arith.muli %scan3A_448, %mul3A_519 : i32
      %add3A_521 = arith.constant 1 : i32
      %add3A_522 = arith.addi %mul3A_520, %add3A_521 : i32
      %slice3A_523 = vector.extract_strided_slice %get3A_487 {offsets = [1], sizes = [1], strides = [1]} : vector<16xi32> to vector<1xi32>
      %squeeze3A_524 = vector.extract %slice3A_523[0] : i32 from vector<1xi32>
      %dma_start3A_525 = arith.constant 0 : i32
      %dma_start3A_526 = tpu.memref_slice %arg12[%add3A_522, %dma_start3A_525] : memref<512x32xf32, #tpu.memory_space<vmem>> -> memref<1x32xf32, #tpu.memory_space<vmem>>
      %dma_start3A_527 = arith.constant 0 : i32
      %dma_start3A_528 = tpu.memref_slice %arg4[%squeeze3A_524, %dma_start3A_527] : memref<1000000x32xf32, #tpu.memory_space<hbm>> -> memref<1x32xf32, #tpu.memory_space<hbm>>
      %dma_start3A_529 = arith.constant 0 : i32
      %dma_start3A_530 = tpu.memref_slice %arg12[%add3A_522, %dma_start3A_529] : memref<512x32xf32, #tpu.memory_space<vmem>> -> memref<1x32xf32, #tpu.memory_space<vmem>>
      %dma_start3A_531 = arith.constant 0 : i32
      %dma_start3A_532 = tpu.memref_slice %arg4[%squeeze3A_524, %dma_start3A_531] : memref<1000000x32xf32, #tpu.memory_space<hbm>> -> memref<1x32xf32, #tpu.memory_space<hbm>>
      tpu.enqueue_dma source(%dma_start3A_532 : memref<1x32xf32, #tpu.memory_space<hbm>>) target(%dma_start3A_530 : memref<1x32xf32, #tpu.memory_space<vmem>>) target_semaphore(%arg10 : memref<!tpu.dma_semaphore, #tpu.memory_space<semaphore_mem>>)
      %slice3A_533 = vector.extract_strided_slice %get3A_494 {offsets = [1], sizes = [1], strides = [1]} : vector<16xi32> to vector<1xi32>
      %squeeze3A_534 = vector.extract %slice3A_533[0] : i32 from vector<1xi32>
      %dma_start3A_535 = arith.constant 0 : i32
      %dma_start3A_536 = tpu.memref_slice %arg8[%add3A_522, %dma_start3A_535] : memref<512x32xf32, #tpu.memory_space<vmem>> -> memref<1x32xf32, #tpu.memory_space<vmem>>
      %dma_start3A_537 = arith.constant 0 : i32
      %dma_start3A_538 = tpu.memref_slice %arg5[%squeeze3A_534, %dma_start3A_537] : memref<1000000x32xf32, #tpu.memory_space<hbm>> -> memref<1x32xf32, #tpu.memory_space<hbm>>
      %dma_start3A_539 = arith.constant 0 : i32
      %dma_start3A_540 = tpu.memref_slice %arg8[%add3A_522, %dma_start3A_539] : memref<512x32xf32, #tpu.memory_space<vmem>> -> memref<1x32xf32, #tpu.memory_space<vmem>>
      %dma_start3A_541 = arith.constant 0 : i32
      %dma_start3A_542 = tpu.memref_slice %arg5[%squeeze3A_534, %dma_start3A_541] : memref<1000000x32xf32, #tpu.memory_space<hbm>> -> memref<1x32xf32, #tpu.memory_space<hbm>>
      tpu.enqueue_dma source(%dma_start3A_542 : memref<1x32xf32, #tpu.memory_space<hbm>>) target(%dma_start3A_540 : memref<1x32xf32, #tpu.memory_space<vmem>>) target_semaphore(%arg10 : memref<!tpu.dma_semaphore, #tpu.memory_space<semaphore_mem>>)
      %mul3A_543 = arith.constant 16 : i32
      %mul3A_544 = arith.muli %scan3A_448, %mul3A_543 : i32
      %add3A_545 = arith.constant 2 : i32
      %add3A_546 = arith.addi %mul3A_544, %add3A_545 : i32
      %slice3A_547 = vector.extract_strided_slice %get3A_487 {offsets = [2], sizes = [1], strides = [1]} : vector<16xi32> to vector<1xi32>
      %squeeze3A_548 = vector.extract %slice3A_547[0] : i32 from vector<1xi32>
      %dma_start3A_549 = arith.constant 0 : i32
      %dma_start3A_550 = tpu.memref_slice %arg12[%add3A_546, %dma_start3A_549] : memref<512x32xf32, #tpu.memory_space<vmem>> -> memref<1x32xf32, #tpu.memory_space<vmem>>
      %dma_start3A_551 = arith.constant 0 : i32
      %dma_start3A_552 = tpu.memref_slice %arg4[%squeeze3A_548, %dma_start3A_551] : memref<1000000x32xf32, #tpu.memory_space<hbm>> -> memref<1x32xf32, #tpu.memory_space<hbm>>
      %dma_start3A_553 = arith.constant 0 : i32
      %dma_start3A_554 = tpu.memref_slice %arg12[%add3A_546, %dma_start3A_553] : memref<512x32xf32, #tpu.memory_space<vmem>> -> memref<1x32xf32, #tpu.memory_space<vmem>>
      %dma_start3A_555 = arith.constant 0 : i32
      %dma_start3A_556 = tpu.memref_slice %arg4[%squeeze3A_548, %dma_start3A_555] : memref<1000000x32xf32, #tpu.memory_space<hbm>> -> memref<1x32xf32, #tpu.memory_space<hbm>>
      tpu.enqueue_dma source(%dma_start3A_556 : memref<1x32xf32, #tpu.memory_space<hbm>>) target(%dma_start3A_554 : memref<1x32xf32, #tpu.memory_space<vmem>>) target_semaphore(%arg10 : memref<!tpu.dma_semaphore, #tpu.memory_space<semaphore_mem>>)
      %slice3A_557 = vector.extract_strided_slice %get3A_494 {offsets = [2], sizes = [1], strides = [1]} : vector<16xi32> to vector<1xi32>
      %squeeze3A_558 = vector.extract %slice3A_557[0] : i32 from vector<1xi32>
      %dma_start3A_559 = arith.constant 0 : i32
      %dma_start3A_560 = tpu.memref_slice %arg8[%add3A_546, %dma_start3A_559] : memref<512x32xf32, #tpu.memory_space<vmem>> -> memref<1x32xf32, #tpu.memory_space<vmem>>
      %dma_start3A_561 = arith.constant 0 : i32
      %dma_start3A_562 = tpu.memref_slice %arg5[%squeeze3A_558, %dma_start3A_561] : memref<1000000x32xf32, #tpu.memory_space<hbm>> -> memref<1x32xf32, #tpu.memory_space<hbm>>
      %dma_start3A_563 = arith.constant 0 : i32
      %dma_start3A_564 = tpu.memref_slice %arg8[%add3A_546, %dma_start3A_563] : memref<512x32xf32, #tpu.memory_space<vmem>> -> memref<1x32xf32, #tpu.memory_space<vmem>>
      %dma_start3A_565 = arith.constant 0 : i32
      %dma_start3A_566 = tpu.memref_slice %arg5[%squeeze3A_558, %dma_start3A_565] : memref<1000000x32xf32, #tpu.memory_space<hbm>> -> memref<1x32xf32, #tpu.memory_space<hbm>>
      tpu.enqueue_dma source(%dma_start3A_566 : memref<1x32xf32, #tpu.memory_space<hbm>>) target(%dma_start3A_564 : memref<1x32xf32, #tpu.memory_space<vmem>>) target_semaphore(%arg10 : memref<!tpu.dma_semaphore, #tpu.memory_space<semaphore_mem>>)
      %mul3A_567 = arith.constant 16 : i32
      %mul3A_568 = arith.muli %scan3A_448, %mul3A_567 : i32
      %add3A_569 = arith.constant 3 : i32
      %add3A_570 = arith.addi %mul3A_568, %add3A_569 : i32
      %slice3A_571 = vector.extract_strided_slice %get3A_487 {offsets = [3], sizes = [1], strides = [1]} : vector<16xi32> to vector<1xi32>
      %squeeze3A_572 = vector.extract %slice3A_571[0] : i32 from vector<1xi32>
      %dma_start3A_573 = arith.constant 0 : i32
      %dma_start3A_574 = tpu.memref_slice %arg12[%add3A_570, %dma_start3A_573] : memref<512x32xf32, #tpu.memory_space<vmem>> -> memref<1x32xf32, #tpu.memory_space<vmem>>
      %dma_start3A_575 = arith.constant 0 : i32
      %dma_start3A_576 = tpu.memref_slice %arg4[%squeeze3A_572, %dma_start3A_575] : memref<1000000x32xf32, #tpu.memory_space<hbm>> -> memref<1x32xf32, #tpu.memory_space<hbm>>
      %dma_start3A_577 = arith.constant 0 : i32
      %dma_start3A_578 = tpu.memref_slice %arg12[%add3A_570, %dma_start3A_577] : memref<512x32xf32, #tpu.memory_space<vmem>> -> memref<1x32xf32, #tpu.memory_space<vmem>>
      %dma_start3A_579 = arith.constant 0 : i32
      %dma_start3A_580 = tpu.memref_slice %arg4[%squeeze3A_572, %dma_start3A_579] : memref<1000000x32xf32, #tpu.memory_space<hbm>> -> memref<1x32xf32, #tpu.memory_space<hbm>>
      tpu.enqueue_dma source(%dma_start3A_580 : memref<1x32xf32, #tpu.memory_space<hbm>>) target(%dma_start3A_578 : memref<1x32xf32, #tpu.memory_space<vmem>>) target_semaphore(%arg10 : memref<!tpu.dma_semaphore, #tpu.memory_space<semaphore_mem>>)
      %slice3A_581 = vector.extract_strided_slice %get3A_494 {offsets = [3], sizes = [1], strides = [1]} : vector<16xi32> to vector<1xi32>
      %squeeze3A_582 = vector.extract %slice3A_581[0] : i32 from vector<1xi32>
      %dma_start3A_583 = arith.constant 0 : i32
      %dma_start3A_584 = tpu.memref_slice %arg8[%add3A_570, %dma_start3A_583] : memref<512x32xf32, #tpu.memory_space<vmem>> -> memref<1x32xf32, #tpu.memory_space<vmem>>
      %dma_start3A_585 = arith.constant 0 : i32
      %dma_start3A_586 = tpu.memref_slice %arg5[%squeeze3A_582, %dma_start3A_585] : memref<1000000x32xf32, #tpu.memory_space<hbm>> -> memref<1x32xf32, #tpu.memory_space<hbm>>
      %dma_start3A_587 = arith.constant 0 : i32
      %dma_start3A_588 = tpu.memref_slice %arg8[%add3A_570, %dma_start3A_587] : memref<512x32xf32, #tpu.memory_space<vmem>> -> memref<1x32xf32, #tpu.memory_space<vmem>>
      %dma_start3A_589 = arith.constant 0 : i32
      %dma_start3A_590 = tpu.memref_slice %arg5[%squeeze3A_582, %dma_start3A_589] : memref<1000000x32xf32, #tpu.memory_space<hbm>> -> memref<1x32xf32, #tpu.memory_space<hbm>>
      tpu.enqueue_dma source(%dma_start3A_590 : memref<1x32xf32, #tpu.memory_space<hbm>>) target(%dma_start3A_588 : memref<1x32xf32, #tpu.memory_space<vmem>>) target_semaphore(%arg10 : memref<!tpu.dma_semaphore, #tpu.memory_space<semaphore_mem>>)
      %mul3A_591 = arith.constant 16 : i32
      %mul3A_592 = arith.muli %scan3A_448, %mul3A_591 : i32
      %add3A_593 = arith.constant 4 : i32
      %add3A_594 = arith.addi %mul3A_592, %add3A_593 : i32
      %slice3A_595 = vector.extract_strided_slice %get3A_487 {offsets = [4], sizes = [1], strides = [1]} : vector<16xi32> to vector<1xi32>
      %squeeze3A_596 = vector.extract %slice3A_595[0] : i32 from vector<1xi32>
      %dma_start3A_597 = arith.constant 0 : i32
      %dma_start3A_598 = tpu.memref_slice %arg12[%add3A_594, %dma_start3A_597] : memref<512x32xf32, #tpu.memory_space<vmem>> -> memref<1x32xf32, #tpu.memory_space<vmem>>
      %dma_start3A_599 = arith.constant 0 : i32
      %dma_start3A_600 = tpu.memref_slice %arg4[%squeeze3A_596, %dma_start3A_599] : memref<1000000x32xf32, #tpu.memory_space<hbm>> -> memref<1x32xf32, #tpu.memory_space<hbm>>
      %dma_start3A_601 = arith.constant 0 : i32
      %dma_start3A_602 = tpu.memref_slice %arg12[%add3A_594, %dma_start3A_601] : memref<512x32xf32, #tpu.memory_space<vmem>> -> memref<1x32xf32, #tpu.memory_space<vmem>>
      %dma_start3A_603 = arith.constant 0 : i32
      %dma_start3A_604 = tpu.memref_slice %arg4[%squeeze3A_596, %dma_start3A_603] : memref<1000000x32xf32, #tpu.memory_space<hbm>> -> memref<1x32xf32, #tpu.memory_space<hbm>>
      tpu.enqueue_dma source(%dma_start3A_604 : memref<1x32xf32, #tpu.memory_space<hbm>>) target(%dma_start3A_602 : memref<1x32xf32, #tpu.memory_space<vmem>>) target_semaphore(%arg10 : memref<!tpu.dma_semaphore, #tpu.memory_space<semaphore_mem>>)
      %slice3A_605 = vector.extract_strided_slice %get3A_494 {offsets = [4], sizes = [1], strides = [1]} : vector<16xi32> to vector<1xi32>
      %squeeze3A_606 = vector.extract %slice3A_605[0] : i32 from vector<1xi32>
      %dma_start3A_607 = arith.constant 0 : i32
      %dma_start3A_608 = tpu.memref_slice %arg8[%add3A_594, %dma_start3A_607] : memref<512x32xf32, #tpu.memory_space<vmem>> -> memref<1x32xf32, #tpu.memory_space<vmem>>
      %dma_start3A_609 = arith.constant 0 : i32
      %dma_start3A_610 = tpu.memref_slice %arg5[%squeeze3A_606, %dma_start3A_609] : memref<1000000x32xf32, #tpu.memory_space<hbm>> -> memref<1x32xf32, #tpu.memory_space<hbm>>
      %dma_start3A_611 = arith.constant 0 : i32
      %dma_start3A_612 = tpu.memref_slice %arg8[%add3A_594, %dma_start3A_611] : memref<512x32xf32, #tpu.memory_space<vmem>> -> memref<1x32xf32, #tpu.memory_space<vmem>>
      %dma_start3A_613 = arith.constant 0 : i32
      %dma_start3A_614 = tpu.memref_slice %arg5[%squeeze3A_606, %dma_start3A_613] : memref<1000000x32xf32, #tpu.memory_space<hbm>> -> memref<1x32xf32, #tpu.memory_space<hbm>>
      tpu.enqueue_dma source(%dma_start3A_614 : memref<1x32xf32, #tpu.memory_space<hbm>>) target(%dma_start3A_612 : memref<1x32xf32, #tpu.memory_space<vmem>>) target_semaphore(%arg10 : memref<!tpu.dma_semaphore, #tpu.memory_space<semaphore_mem>>)
      %mul3A_615 = arith.constant 16 : i32
      %mul3A_616 = arith.muli %scan3A_448, %mul3A_615 : i32
      %add3A_617 = arith.constant 5 : i32
      %add3A_618 = arith.addi %mul3A_616, %add3A_617 : i32
      %slice3A_619 = vector.extract_strided_slice %get3A_487 {offsets = [5], sizes = [1], strides = [1]} : vector<16xi32> to vector<1xi32>
      %squeeze3A_620 = vector.extract %slice3A_619[0] : i32 from vector<1xi32>
      %dma_start3A_621 = arith.constant 0 : i32
      %dma_start3A_622 = tpu.memref_slice %arg12[%add3A_618, %dma_start3A_621] : memref<512x32xf32, #tpu.memory_space<vmem>> -> memref<1x32xf32, #tpu.memory_space<vmem>>
      %dma_start3A_623 = arith.constant 0 : i32
      %dma_start3A_624 = tpu.memref_slice %arg4[%squeeze3A_620, %dma_start3A_623] : memref<1000000x32xf32, #tpu.memory_space<hbm>> -> memref<1x32xf32, #tpu.memory_space<hbm>>
      %dma_start3A_625 = arith.constant 0 : i32
      %dma_start3A_626 = tpu.memref_slice %arg12[%add3A_618, %dma_start3A_625] : memref<512x32xf32, #tpu.memory_space<vmem>> -> memref<1x32xf32, #tpu.memory_space<vmem>>
      %dma_start3A_627 = arith.constant 0 : i32
      %dma_start3A_628 = tpu.memref_slice %arg4[%squeeze3A_620, %dma_start3A_627] : memref<1000000x32xf32, #tpu.memory_space<hbm>> -> memref<1x32xf32, #tpu.memory_space<hbm>>
      tpu.enqueue_dma source(%dma_start3A_628 : memref<1x32xf32, #tpu.memory_space<hbm>>) target(%dma_start3A_626 : memref<1x32xf32, #tpu.memory_space<vmem>>) target_semaphore(%arg10 : memref<!tpu.dma_semaphore, #tpu.memory_space<semaphore_mem>>)
      %slice3A_629 = vector.extract_strided_slice %get3A_494 {offsets = [5], sizes = [1], strides = [1]} : vector<16xi32> to vector<1xi32>
      %squeeze3A_630 = vector.extract %slice3A_629[0] : i32 from vector<1xi32>
      %dma_start3A_631 = arith.constant 0 : i32
      %dma_start3A_632 = tpu.memref_slice %arg8[%add3A_618, %dma_start3A_631] : memref<512x32xf32, #tpu.memory_space<vmem>> -> memref<1x32xf32, #tpu.memory_space<vmem>>
      %dma_start3A_633 = arith.constant 0 : i32
      %dma_start3A_634 = tpu.memref_slice %arg5[%squeeze3A_630, %dma_start3A_633] : memref<1000000x32xf32, #tpu.memory_space<hbm>> -> memref<1x32xf32, #tpu.memory_space<hbm>>
      %dma_start3A_635 = arith.constant 0 : i32
      %dma_start3A_636 = tpu.memref_slice %arg8[%add3A_618, %dma_start3A_635] : memref<512x32xf32, #tpu.memory_space<vmem>> -> memref<1x32xf32, #tpu.memory_space<vmem>>
      %dma_start3A_637 = arith.constant 0 : i32
      %dma_start3A_638 = tpu.memref_slice %arg5[%squeeze3A_630, %dma_start3A_637] : memref<1000000x32xf32, #tpu.memory_space<hbm>> -> memref<1x32xf32, #tpu.memory_space<hbm>>
      tpu.enqueue_dma source(%dma_start3A_638 : memref<1x32xf32, #tpu.memory_space<hbm>>) target(%dma_start3A_636 : memref<1x32xf32, #tpu.memory_space<vmem>>) target_semaphore(%arg10 : memref<!tpu.dma_semaphore, #tpu.memory_space<semaphore_mem>>)
      %mul3A_639 = arith.constant 16 : i32
      %mul3A_640 = arith.muli %scan3A_448, %mul3A_639 : i32
      %add3A_641 = arith.constant 6 : i32
      %add3A_642 = arith.addi %mul3A_640, %add3A_641 : i32
      %slice3A_643 = vector.extract_strided_slice %get3A_487 {offsets = [6], sizes = [1], strides = [1]} : vector<16xi32> to vector<1xi32>
      %squeeze3A_644 = vector.extract %slice3A_643[0] : i32 from vector<1xi32>
      %dma_start3A_645 = arith.constant 0 : i32
      %dma_start3A_646 = tpu.memref_slice %arg12[%add3A_642, %dma_start3A_645] : memref<512x32xf32, #tpu.memory_space<vmem>> -> memref<1x32xf32, #tpu.memory_space<vmem>>
      %dma_start3A_647 = arith.constant 0 : i32
      %dma_start3A_648 = tpu.memref_slice %arg4[%squeeze3A_644, %dma_start3A_647] : memref<1000000x32xf32, #tpu.memory_space<hbm>> -> memref<1x32xf32, #tpu.memory_space<hbm>>
      %dma_start3A_649 = arith.constant 0 : i32
      %dma_start3A_650 = tpu.memref_slice %arg12[%add3A_642, %dma_start3A_649] : memref<512x32xf32, #tpu.memory_space<vmem>> -> memref<1x32xf32, #tpu.memory_space<vmem>>
      %dma_start3A_651 = arith.constant 0 : i32
      %dma_start3A_652 = tpu.memref_slice %arg4[%squeeze3A_644, %dma_start3A_651] : memref<1000000x32xf32, #tpu.memory_space<hbm>> -> memref<1x32xf32, #tpu.memory_space<hbm>>
      tpu.enqueue_dma source(%dma_start3A_652 : memref<1x32xf32, #tpu.memory_space<hbm>>) target(%dma_start3A_650 : memref<1x32xf32, #tpu.memory_space<vmem>>) target_semaphore(%arg10 : memref<!tpu.dma_semaphore, #tpu.memory_space<semaphore_mem>>)
      %slice3A_653 = vector.extract_strided_slice %get3A_494 {offsets = [6], sizes = [1], strides = [1]} : vector<16xi32> to vector<1xi32>
      %squeeze3A_654 = vector.extract %slice3A_653[0] : i32 from vector<1xi32>
      %dma_start3A_655 = arith.constant 0 : i32
      %dma_start3A_656 = tpu.memref_slice %arg8[%add3A_642, %dma_start3A_655] : memref<512x32xf32, #tpu.memory_space<vmem>> -> memref<1x32xf32, #tpu.memory_space<vmem>>
      %dma_start3A_657 = arith.constant 0 : i32
      %dma_start3A_658 = tpu.memref_slice %arg5[%squeeze3A_654, %dma_start3A_657] : memref<1000000x32xf32, #tpu.memory_space<hbm>> -> memref<1x32xf32, #tpu.memory_space<hbm>>
      %dma_start3A_659 = arith.constant 0 : i32
      %dma_start3A_660 = tpu.memref_slice %arg8[%add3A_642, %dma_start3A_659] : memref<512x32xf32, #tpu.memory_space<vmem>> -> memref<1x32xf32, #tpu.memory_space<vmem>>
      %dma_start3A_661 = arith.constant 0 : i32
      %dma_start3A_662 = tpu.memref_slice %arg5[%squeeze3A_654, %dma_start3A_661] : memref<1000000x32xf32, #tpu.memory_space<hbm>> -> memref<1x32xf32, #tpu.memory_space<hbm>>
      tpu.enqueue_dma source(%dma_start3A_662 : memref<1x32xf32, #tpu.memory_space<hbm>>) target(%dma_start3A_660 : memref<1x32xf32, #tpu.memory_space<vmem>>) target_semaphore(%arg10 : memref<!tpu.dma_semaphore, #tpu.memory_space<semaphore_mem>>)
      %mul3A_663 = arith.constant 16 : i32
      %mul3A_664 = arith.muli %scan3A_448, %mul3A_663 : i32
      %add3A_665 = arith.constant 7 : i32
      %add3A_666 = arith.addi %mul3A_664, %add3A_665 : i32
      %slice3A_667 = vector.extract_strided_slice %get3A_487 {offsets = [7], sizes = [1], strides = [1]} : vector<16xi32> to vector<1xi32>
      %squeeze3A_668 = vector.extract %slice3A_667[0] : i32 from vector<1xi32>
      %dma_start3A_669 = arith.constant 0 : i32
      %dma_start3A_670 = tpu.memref_slice %arg12[%add3A_666, %dma_start3A_669] : memref<512x32xf32, #tpu.memory_space<vmem>> -> memref<1x32xf32, #tpu.memory_space<vmem>>
      %dma_start3A_671 = arith.constant 0 : i32
      %dma_start3A_672 = tpu.memref_slice %arg4[%squeeze3A_668, %dma_start3A_671] : memref<1000000x32xf32, #tpu.memory_space<hbm>> -> memref<1x32xf32, #tpu.memory_space<hbm>>
      %dma_start3A_673 = arith.constant 0 : i32
      %dma_start3A_674 = tpu.memref_slice %arg12[%add3A_666, %dma_start3A_673] : memref<512x32xf32, #tpu.memory_space<vmem>> -> memref<1x32xf32, #tpu.memory_space<vmem>>
      %dma_start3A_675 = arith.constant 0 : i32
      %dma_start3A_676 = tpu.memref_slice %arg4[%squeeze3A_668, %dma_start3A_675] : memref<1000000x32xf32, #tpu.memory_space<hbm>> -> memref<1x32xf32, #tpu.memory_space<hbm>>
      tpu.enqueue_dma source(%dma_start3A_676 : memref<1x32xf32, #tpu.memory_space<hbm>>) target(%dma_start3A_674 : memref<1x32xf32, #tpu.memory_space<vmem>>) target_semaphore(%arg10 : memref<!tpu.dma_semaphore, #tpu.memory_space<semaphore_mem>>)
      %slice3A_677 = vector.extract_strided_slice %get3A_494 {offsets = [7], sizes = [1], strides = [1]} : vector<16xi32> to vector<1xi32>
      %squeeze3A_678 = vector.extract %slice3A_677[0] : i32 from vector<1xi32>
      %dma_start3A_679 = arith.constant 0 : i32
      %dma_start3A_680 = tpu.memref_slice %arg8[%add3A_666, %dma_start3A_679] : memref<512x32xf32, #tpu.memory_space<vmem>> -> memref<1x32xf32, #tpu.memory_space<vmem>>
      %dma_start3A_681 = arith.constant 0 : i32
      %dma_start3A_682 = tpu.memref_slice %arg5[%squeeze3A_678, %dma_start3A_681] : memref<1000000x32xf32, #tpu.memory_space<hbm>> -> memref<1x32xf32, #tpu.memory_space<hbm>>
      %dma_start3A_683 = arith.constant 0 : i32
      %dma_start3A_684 = tpu.memref_slice %arg8[%add3A_666, %dma_start3A_683] : memref<512x32xf32, #tpu.memory_space<vmem>> -> memref<1x32xf32, #tpu.memory_space<vmem>>
      %dma_start3A_685 = arith.constant 0 : i32
      %dma_start3A_686 = tpu.memref_slice %arg5[%squeeze3A_678, %dma_start3A_685] : memref<1000000x32xf32, #tpu.memory_space<hbm>> -> memref<1x32xf32, #tpu.memory_space<hbm>>
      tpu.enqueue_dma source(%dma_start3A_686 : memref<1x32xf32, #tpu.memory_space<hbm>>) target(%dma_start3A_684 : memref<1x32xf32, #tpu.memory_space<vmem>>) target_semaphore(%arg10 : memref<!tpu.dma_semaphore, #tpu.memory_space<semaphore_mem>>)
      %mul3A_687 = arith.constant 16 : i32
      %mul3A_688 = arith.muli %scan3A_448, %mul3A_687 : i32
      %add3A_689 = arith.constant 8 : i32
      %add3A_690 = arith.addi %mul3A_688, %add3A_689 : i32
      %slice3A_691 = vector.extract_strided_slice %get3A_487 {offsets = [8], sizes = [1], strides = [1]} : vector<16xi32> to vector<1xi32>
      %squeeze3A_692 = vector.extract %slice3A_691[0] : i32 from vector<1xi32>
      %dma_start3A_693 = arith.constant 0 : i32
      %dma_start3A_694 = tpu.memref_slice %arg12[%add3A_690, %dma_start3A_693] : memref<512x32xf32, #tpu.memory_space<vmem>> -> memref<1x32xf32, #tpu.memory_space<vmem>>
      %dma_start3A_695 = arith.constant 0 : i32
      %dma_start3A_696 = tpu.memref_slice %arg4[%squeeze3A_692, %dma_start3A_695] : memref<1000000x32xf32, #tpu.memory_space<hbm>> -> memref<1x32xf32, #tpu.memory_space<hbm>>
      %dma_start3A_697 = arith.constant 0 : i32
      %dma_start3A_698 = tpu.memref_slice %arg12[%add3A_690, %dma_start3A_697] : memref<512x32xf32, #tpu.memory_space<vmem>> -> memref<1x32xf32, #tpu.memory_space<vmem>>
      %dma_start3A_699 = arith.constant 0 : i32
      %dma_start3A_700 = tpu.memref_slice %arg4[%squeeze3A_692, %dma_start3A_699] : memref<1000000x32xf32, #tpu.memory_space<hbm>> -> memref<1x32xf32, #tpu.memory_space<hbm>>
      tpu.enqueue_dma source(%dma_start3A_700 : memref<1x32xf32, #tpu.memory_space<hbm>>) target(%dma_start3A_698 : memref<1x32xf32, #tpu.memory_space<vmem>>) target_semaphore(%arg10 : memref<!tpu.dma_semaphore, #tpu.memory_space<semaphore_mem>>)
      %slice3A_701 = vector.extract_strided_slice %get3A_494 {offsets = [8], sizes = [1], strides = [1]} : vector<16xi32> to vector<1xi32>
      %squeeze3A_702 = vector.extract %slice3A_701[0] : i32 from vector<1xi32>
      %dma_start3A_703 = arith.constant 0 : i32
      %dma_start3A_704 = tpu.memref_slice %arg8[%add3A_690, %dma_start3A_703] : memref<512x32xf32, #tpu.memory_space<vmem>> -> memref<1x32xf32, #tpu.memory_space<vmem>>
      %dma_start3A_705 = arith.constant 0 : i32
      %dma_start3A_706 = tpu.memref_slice %arg5[%squeeze3A_702, %dma_start3A_705] : memref<1000000x32xf32, #tpu.memory_space<hbm>> -> memref<1x32xf32, #tpu.memory_space<hbm>>
      %dma_start3A_707 = arith.constant 0 : i32
      %dma_start3A_708 = tpu.memref_slice %arg8[%add3A_690, %dma_start3A_707] : memref<512x32xf32, #tpu.memory_space<vmem>> -> memref<1x32xf32, #tpu.memory_space<vmem>>
      %dma_start3A_709 = arith.constant 0 : i32
      %dma_start3A_710 = tpu.memref_slice %arg5[%squeeze3A_702, %dma_start3A_709] : memref<1000000x32xf32, #tpu.memory_space<hbm>> -> memref<1x32xf32, #tpu.memory_space<hbm>>
      tpu.enqueue_dma source(%dma_start3A_710 : memref<1x32xf32, #tpu.memory_space<hbm>>) target(%dma_start3A_708 : memref<1x32xf32, #tpu.memory_space<vmem>>) target_semaphore(%arg10 : memref<!tpu.dma_semaphore, #tpu.memory_space<semaphore_mem>>)
      %mul3A_711 = arith.constant 16 : i32
      %mul3A_712 = arith.muli %scan3A_448, %mul3A_711 : i32
      %add3A_713 = arith.constant 9 : i32
      %add3A_714 = arith.addi %mul3A_712, %add3A_713 : i32
      %slice3A_715 = vector.extract_strided_slice %get3A_487 {offsets = [9], sizes = [1], strides = [1]} : vector<16xi32> to vector<1xi32>
      %squeeze3A_716 = vector.extract %slice3A_715[0] : i32 from vector<1xi32>
      %dma_start3A_717 = arith.constant 0 : i32
      %dma_start3A_718 = tpu.memref_slice %arg12[%add3A_714, %dma_start3A_717] : memref<512x32xf32, #tpu.memory_space<vmem>> -> memref<1x32xf32, #tpu.memory_space<vmem>>
      %dma_start3A_719 = arith.constant 0 : i32
      %dma_start3A_720 = tpu.memref_slice %arg4[%squeeze3A_716, %dma_start3A_719] : memref<1000000x32xf32, #tpu.memory_space<hbm>> -> memref<1x32xf32, #tpu.memory_space<hbm>>
      %dma_start3A_721 = arith.constant 0 : i32
      %dma_start3A_722 = tpu.memref_slice %arg12[%add3A_714, %dma_start3A_721] : memref<512x32xf32, #tpu.memory_space<vmem>> -> memref<1x32xf32, #tpu.memory_space<vmem>>
      %dma_start3A_723 = arith.constant 0 : i32
      %dma_start3A_724 = tpu.memref_slice %arg4[%squeeze3A_716, %dma_start3A_723] : memref<1000000x32xf32, #tpu.memory_space<hbm>> -> memref<1x32xf32, #tpu.memory_space<hbm>>
      tpu.enqueue_dma source(%dma_start3A_724 : memref<1x32xf32, #tpu.memory_space<hbm>>) target(%dma_start3A_722 : memref<1x32xf32, #tpu.memory_space<vmem>>) target_semaphore(%arg10 : memref<!tpu.dma_semaphore, #tpu.memory_space<semaphore_mem>>)
      %slice3A_725 = vector.extract_strided_slice %get3A_494 {offsets = [9], sizes = [1], strides = [1]} : vector<16xi32> to vector<1xi32>
      %squeeze3A_726 = vector.extract %slice3A_725[0] : i32 from vector<1xi32>
      %dma_start3A_727 = arith.constant 0 : i32
      %dma_start3A_728 = tpu.memref_slice %arg8[%add3A_714, %dma_start3A_727] : memref<512x32xf32, #tpu.memory_space<vmem>> -> memref<1x32xf32, #tpu.memory_space<vmem>>
      %dma_start3A_729 = arith.constant 0 : i32
      %dma_start3A_730 = tpu.memref_slice %arg5[%squeeze3A_726, %dma_start3A_729] : memref<1000000x32xf32, #tpu.memory_space<hbm>> -> memref<1x32xf32, #tpu.memory_space<hbm>>
      %dma_start3A_731 = arith.constant 0 : i32
      %dma_start3A_732 = tpu.memref_slice %arg8[%add3A_714, %dma_start3A_731] : memref<512x32xf32, #tpu.memory_space<vmem>> -> memref<1x32xf32, #tpu.memory_space<vmem>>
      %dma_start3A_733 = arith.constant 0 : i32
      %dma_start3A_734 = tpu.memref_slice %arg5[%squeeze3A_726, %dma_start3A_733] : memref<1000000x32xf32, #tpu.memory_space<hbm>> -> memref<1x32xf32, #tpu.memory_space<hbm>>
      tpu.enqueue_dma source(%dma_start3A_734 : memref<1x32xf32, #tpu.memory_space<hbm>>) target(%dma_start3A_732 : memref<1x32xf32, #tpu.memory_space<vmem>>) target_semaphore(%arg10 : memref<!tpu.dma_semaphore, #tpu.memory_space<semaphore_mem>>)
      %mul3A_735 = arith.constant 16 : i32
      %mul3A_736 = arith.muli %scan3A_448, %mul3A_735 : i32
      %add3A_737 = arith.constant 10 : i32
      %add3A_738 = arith.addi %mul3A_736, %add3A_737 : i32
      %slice3A_739 = vector.extract_strided_slice %get3A_487 {offsets = [10], sizes = [1], strides = [1]} : vector<16xi32> to vector<1xi32>
      %squeeze3A_740 = vector.extract %slice3A_739[0] : i32 from vector<1xi32>
      %dma_start3A_741 = arith.constant 0 : i32
      %dma_start3A_742 = tpu.memref_slice %arg12[%add3A_738, %dma_start3A_741] : memref<512x32xf32, #tpu.memory_space<vmem>> -> memref<1x32xf32, #tpu.memory_space<vmem>>
      %dma_start3A_743 = arith.constant 0 : i32
      %dma_start3A_744 = tpu.memref_slice %arg4[%squeeze3A_740, %dma_start3A_743] : memref<1000000x32xf32, #tpu.memory_space<hbm>> -> memref<1x32xf32, #tpu.memory_space<hbm>>
      %dma_start3A_745 = arith.constant 0 : i32
      %dma_start3A_746 = tpu.memref_slice %arg12[%add3A_738, %dma_start3A_745] : memref<512x32xf32, #tpu.memory_space<vmem>> -> memref<1x32xf32, #tpu.memory_space<vmem>>
      %dma_start3A_747 = arith.constant 0 : i32
      %dma_start3A_748 = tpu.memref_slice %arg4[%squeeze3A_740, %dma_start3A_747] : memref<1000000x32xf32, #tpu.memory_space<hbm>> -> memref<1x32xf32, #tpu.memory_space<hbm>>
      tpu.enqueue_dma source(%dma_start3A_748 : memref<1x32xf32, #tpu.memory_space<hbm>>) target(%dma_start3A_746 : memref<1x32xf32, #tpu.memory_space<vmem>>) target_semaphore(%arg10 : memref<!tpu.dma_semaphore, #tpu.memory_space<semaphore_mem>>)
      %slice3A_749 = vector.extract_strided_slice %get3A_494 {offsets = [10], sizes = [1], strides = [1]} : vector<16xi32> to vector<1xi32>
      %squeeze3A_750 = vector.extract %slice3A_749[0] : i32 from vector<1xi32>
      %dma_start3A_751 = arith.constant 0 : i32
      %dma_start3A_752 = tpu.memref_slice %arg8[%add3A_738, %dma_start3A_751] : memref<512x32xf32, #tpu.memory_space<vmem>> -> memref<1x32xf32, #tpu.memory_space<vmem>>
      %dma_start3A_753 = arith.constant 0 : i32
      %dma_start3A_754 = tpu.memref_slice %arg5[%squeeze3A_750, %dma_start3A_753] : memref<1000000x32xf32, #tpu.memory_space<hbm>> -> memref<1x32xf32, #tpu.memory_space<hbm>>
      %dma_start3A_755 = arith.constant 0 : i32
      %dma_start3A_756 = tpu.memref_slice %arg8[%add3A_738, %dma_start3A_755] : memref<512x32xf32, #tpu.memory_space<vmem>> -> memref<1x32xf32, #tpu.memory_space<vmem>>
      %dma_start3A_757 = arith.constant 0 : i32
      %dma_start3A_758 = tpu.memref_slice %arg5[%squeeze3A_750, %dma_start3A_757] : memref<1000000x32xf32, #tpu.memory_space<hbm>> -> memref<1x32xf32, #tpu.memory_space<hbm>>
      tpu.enqueue_dma source(%dma_start3A_758 : memref<1x32xf32, #tpu.memory_space<hbm>>) target(%dma_start3A_756 : memref<1x32xf32, #tpu.memory_space<vmem>>) target_semaphore(%arg10 : memref<!tpu.dma_semaphore, #tpu.memory_space<semaphore_mem>>)
      %mul3A_759 = arith.constant 16 : i32
      %mul3A_760 = arith.muli %scan3A_448, %mul3A_759 : i32
      %add3A_761 = arith.constant 11 : i32
      %add3A_762 = arith.addi %mul3A_760, %add3A_761 : i32
      %slice3A_763 = vector.extract_strided_slice %get3A_487 {offsets = [11], sizes = [1], strides = [1]} : vector<16xi32> to vector<1xi32>
      %squeeze3A_764 = vector.extract %slice3A_763[0] : i32 from vector<1xi32>
      %dma_start3A_765 = arith.constant 0 : i32
      %dma_start3A_766 = tpu.memref_slice %arg12[%add3A_762, %dma_start3A_765] : memref<512x32xf32, #tpu.memory_space<vmem>> -> memref<1x32xf32, #tpu.memory_space<vmem>>
      %dma_start3A_767 = arith.constant 0 : i32
      %dma_start3A_768 = tpu.memref_slice %arg4[%squeeze3A_764, %dma_start3A_767] : memref<1000000x32xf32, #tpu.memory_space<hbm>> -> memref<1x32xf32, #tpu.memory_space<hbm>>
      %dma_start3A_769 = arith.constant 0 : i32
      %dma_start3A_770 = tpu.memref_slice %arg12[%add3A_762, %dma_start3A_769] : memref<512x32xf32, #tpu.memory_space<vmem>> -> memref<1x32xf32, #tpu.memory_space<vmem>>
      %dma_start3A_771 = arith.constant 0 : i32
      %dma_start3A_772 = tpu.memref_slice %arg4[%squeeze3A_764, %dma_start3A_771] : memref<1000000x32xf32, #tpu.memory_space<hbm>> -> memref<1x32xf32, #tpu.memory_space<hbm>>
      tpu.enqueue_dma source(%dma_start3A_772 : memref<1x32xf32, #tpu.memory_space<hbm>>) target(%dma_start3A_770 : memref<1x32xf32, #tpu.memory_space<vmem>>) target_semaphore(%arg10 : memref<!tpu.dma_semaphore, #tpu.memory_space<semaphore_mem>>)
      %slice3A_773 = vector.extract_strided_slice %get3A_494 {offsets = [11], sizes = [1], strides = [1]} : vector<16xi32> to vector<1xi32>
      %squeeze3A_774 = vector.extract %slice3A_773[0] : i32 from vector<1xi32>
      %dma_start3A_775 = arith.constant 0 : i32
      %dma_start3A_776 = tpu.memref_slice %arg8[%add3A_762, %dma_start3A_775] : memref<512x32xf32, #tpu.memory_space<vmem>> -> memref<1x32xf32, #tpu.memory_space<vmem>>
      %dma_start3A_777 = arith.constant 0 : i32
      %dma_start3A_778 = tpu.memref_slice %arg5[%squeeze3A_774, %dma_start3A_777] : memref<1000000x32xf32, #tpu.memory_space<hbm>> -> memref<1x32xf32, #tpu.memory_space<hbm>>
      %dma_start3A_779 = arith.constant 0 : i32
      %dma_start3A_780 = tpu.memref_slice %arg8[%add3A_762, %dma_start3A_779] : memref<512x32xf32, #tpu.memory_space<vmem>> -> memref<1x32xf32, #tpu.memory_space<vmem>>
      %dma_start3A_781 = arith.constant 0 : i32
      %dma_start3A_782 = tpu.memref_slice %arg5[%squeeze3A_774, %dma_start3A_781] : memref<1000000x32xf32, #tpu.memory_space<hbm>> -> memref<1x32xf32, #tpu.memory_space<hbm>>
      tpu.enqueue_dma source(%dma_start3A_782 : memref<1x32xf32, #tpu.memory_space<hbm>>) target(%dma_start3A_780 : memref<1x32xf32, #tpu.memory_space<vmem>>) target_semaphore(%arg10 : memref<!tpu.dma_semaphore, #tpu.memory_space<semaphore_mem>>)
      %mul3A_783 = arith.constant 16 : i32
      %mul3A_784 = arith.muli %scan3A_448, %mul3A_783 : i32
      %add3A_785 = arith.constant 12 : i32
      %add3A_786 = arith.addi %mul3A_784, %add3A_785 : i32
      %slice3A_787 = vector.extract_strided_slice %get3A_487 {offsets = [12], sizes = [1], strides = [1]} : vector<16xi32> to vector<1xi32>
      %squeeze3A_788 = vector.extract %slice3A_787[0] : i32 from vector<1xi32>
      %dma_start3A_789 = arith.constant 0 : i32
      %dma_start3A_790 = tpu.memref_slice %arg12[%add3A_786, %dma_start3A_789] : memref<512x32xf32, #tpu.memory_space<vmem>> -> memref<1x32xf32, #tpu.memory_space<vmem>>
      %dma_start3A_791 = arith.constant 0 : i32
      %dma_start3A_792 = tpu.memref_slice %arg4[%squeeze3A_788, %dma_start3A_791] : memref<1000000x32xf32, #tpu.memory_space<hbm>> -> memref<1x32xf32, #tpu.memory_space<hbm>>
      %dma_start3A_793 = arith.constant 0 : i32
      %dma_start3A_794 = tpu.memref_slice %arg12[%add3A_786, %dma_start3A_793] : memref<512x32xf32, #tpu.memory_space<vmem>> -> memref<1x32xf32, #tpu.memory_space<vmem>>
      %dma_start3A_795 = arith.constant 0 : i32
      %dma_start3A_796 = tpu.memref_slice %arg4[%squeeze3A_788, %dma_start3A_795] : memref<1000000x32xf32, #tpu.memory_space<hbm>> -> memref<1x32xf32, #tpu.memory_space<hbm>>
      tpu.enqueue_dma source(%dma_start3A_796 : memref<1x32xf32, #tpu.memory_space<hbm>>) target(%dma_start3A_794 : memref<1x32xf32, #tpu.memory_space<vmem>>) target_semaphore(%arg10 : memref<!tpu.dma_semaphore, #tpu.memory_space<semaphore_mem>>)
      %slice3A_797 = vector.extract_strided_slice %get3A_494 {offsets = [12], sizes = [1], strides = [1]} : vector<16xi32> to vector<1xi32>
      %squeeze3A_798 = vector.extract %slice3A_797[0] : i32 from vector<1xi32>
      %dma_start3A_799 = arith.constant 0 : i32
      %dma_start3A_800 = tpu.memref_slice %arg8[%add3A_786, %dma_start3A_799] : memref<512x32xf32, #tpu.memory_space<vmem>> -> memref<1x32xf32, #tpu.memory_space<vmem>>
      %dma_start3A_801 = arith.constant 0 : i32
      %dma_start3A_802 = tpu.memref_slice %arg5[%squeeze3A_798, %dma_start3A_801] : memref<1000000x32xf32, #tpu.memory_space<hbm>> -> memref<1x32xf32, #tpu.memory_space<hbm>>
      %dma_start3A_803 = arith.constant 0 : i32
      %dma_start3A_804 = tpu.memref_slice %arg8[%add3A_786, %dma_start3A_803] : memref<512x32xf32, #tpu.memory_space<vmem>> -> memref<1x32xf32, #tpu.memory_space<vmem>>
      %dma_start3A_805 = arith.constant 0 : i32
      %dma_start3A_806 = tpu.memref_slice %arg5[%squeeze3A_798, %dma_start3A_805] : memref<1000000x32xf32, #tpu.memory_space<hbm>> -> memref<1x32xf32, #tpu.memory_space<hbm>>
      tpu.enqueue_dma source(%dma_start3A_806 : memref<1x32xf32, #tpu.memory_space<hbm>>) target(%dma_start3A_804 : memref<1x32xf32, #tpu.memory_space<vmem>>) target_semaphore(%arg10 : memref<!tpu.dma_semaphore, #tpu.memory_space<semaphore_mem>>)
      %mul3A_807 = arith.constant 16 : i32
      %mul3A_808 = arith.muli %scan3A_448, %mul3A_807 : i32
      %add3A_809 = arith.constant 13 : i32
      %add3A_810 = arith.addi %mul3A_808, %add3A_809 : i32
      %slice3A_811 = vector.extract_strided_slice %get3A_487 {offsets = [13], sizes = [1], strides = [1]} : vector<16xi32> to vector<1xi32>
      %squeeze3A_812 = vector.extract %slice3A_811[0] : i32 from vector<1xi32>
      %dma_start3A_813 = arith.constant 0 : i32
      %dma_start3A_814 = tpu.memref_slice %arg12[%add3A_810, %dma_start3A_813] : memref<512x32xf32, #tpu.memory_space<vmem>> -> memref<1x32xf32, #tpu.memory_space<vmem>>
      %dma_start3A_815 = arith.constant 0 : i32
      %dma_start3A_816 = tpu.memref_slice %arg4[%squeeze3A_812, %dma_start3A_815] : memref<1000000x32xf32, #tpu.memory_space<hbm>> -> memref<1x32xf32, #tpu.memory_space<hbm>>
      %dma_start3A_817 = arith.constant 0 : i32
      %dma_start3A_818 = tpu.memref_slice %arg12[%add3A_810, %dma_start3A_817] : memref<512x32xf32, #tpu.memory_space<vmem>> -> memref<1x32xf32, #tpu.memory_space<vmem>>
      %dma_start3A_819 = arith.constant 0 : i32
      %dma_start3A_820 = tpu.memref_slice %arg4[%squeeze3A_812, %dma_start3A_819] : memref<1000000x32xf32, #tpu.memory_space<hbm>> -> memref<1x32xf32, #tpu.memory_space<hbm>>
      tpu.enqueue_dma source(%dma_start3A_820 : memref<1x32xf32, #tpu.memory_space<hbm>>) target(%dma_start3A_818 : memref<1x32xf32, #tpu.memory_space<vmem>>) target_semaphore(%arg10 : memref<!tpu.dma_semaphore, #tpu.memory_space<semaphore_mem>>)
      %slice3A_821 = vector.extract_strided_slice %get3A_494 {offsets = [13], sizes = [1], strides = [1]} : vector<16xi32> to vector<1xi32>
      %squeeze3A_822 = vector.extract %slice3A_821[0] : i32 from vector<1xi32>
      %dma_start3A_823 = arith.constant 0 : i32
      %dma_start3A_824 = tpu.memref_slice %arg8[%add3A_810, %dma_start3A_823] : memref<512x32xf32, #tpu.memory_space<vmem>> -> memref<1x32xf32, #tpu.memory_space<vmem>>
      %dma_start3A_825 = arith.constant 0 : i32
      %dma_start3A_826 = tpu.memref_slice %arg5[%squeeze3A_822, %dma_start3A_825] : memref<1000000x32xf32, #tpu.memory_space<hbm>> -> memref<1x32xf32, #tpu.memory_space<hbm>>
      %dma_start3A_827 = arith.constant 0 : i32
      %dma_start3A_828 = tpu.memref_slice %arg8[%add3A_810, %dma_start3A_827] : memref<512x32xf32, #tpu.memory_space<vmem>> -> memref<1x32xf32, #tpu.memory_space<vmem>>
      %dma_start3A_829 = arith.constant 0 : i32
      %dma_start3A_830 = tpu.memref_slice %arg5[%squeeze3A_822, %dma_start3A_829] : memref<1000000x32xf32, #tpu.memory_space<hbm>> -> memref<1x32xf32, #tpu.memory_space<hbm>>
      tpu.enqueue_dma source(%dma_start3A_830 : memref<1x32xf32, #tpu.memory_space<hbm>>) target(%dma_start3A_828 : memref<1x32xf32, #tpu.memory_space<vmem>>) target_semaphore(%arg10 : memref<!tpu.dma_semaphore, #tpu.memory_space<semaphore_mem>>)
      %mul3A_831 = arith.constant 16 : i32
      %mul3A_832 = arith.muli %scan3A_448, %mul3A_831 : i32
      %add3A_833 = arith.constant 14 : i32
      %add3A_834 = arith.addi %mul3A_832, %add3A_833 : i32
      %slice3A_835 = vector.extract_strided_slice %get3A_487 {offsets = [14], sizes = [1], strides = [1]} : vector<16xi32> to vector<1xi32>
      %squeeze3A_836 = vector.extract %slice3A_835[0] : i32 from vector<1xi32>
      %dma_start3A_837 = arith.constant 0 : i32
      %dma_start3A_838 = tpu.memref_slice %arg12[%add3A_834, %dma_start3A_837] : memref<512x32xf32, #tpu.memory_space<vmem>> -> memref<1x32xf32, #tpu.memory_space<vmem>>
      %dma_start3A_839 = arith.constant 0 : i32
      %dma_start3A_840 = tpu.memref_slice %arg4[%squeeze3A_836, %dma_start3A_839] : memref<1000000x32xf32, #tpu.memory_space<hbm>> -> memref<1x32xf32, #tpu.memory_space<hbm>>
      %dma_start3A_841 = arith.constant 0 : i32
      %dma_start3A_842 = tpu.memref_slice %arg12[%add3A_834, %dma_start3A_841] : memref<512x32xf32, #tpu.memory_space<vmem>> -> memref<1x32xf32, #tpu.memory_space<vmem>>
      %dma_start3A_843 = arith.constant 0 : i32
      %dma_start3A_844 = tpu.memref_slice %arg4[%squeeze3A_836, %dma_start3A_843] : memref<1000000x32xf32, #tpu.memory_space<hbm>> -> memref<1x32xf32, #tpu.memory_space<hbm>>
      tpu.enqueue_dma source(%dma_start3A_844 : memref<1x32xf32, #tpu.memory_space<hbm>>) target(%dma_start3A_842 : memref<1x32xf32, #tpu.memory_space<vmem>>) target_semaphore(%arg10 : memref<!tpu.dma_semaphore, #tpu.memory_space<semaphore_mem>>)
      %slice3A_845 = vector.extract_strided_slice %get3A_494 {offsets = [14], sizes = [1], strides = [1]} : vector<16xi32> to vector<1xi32>
      %squeeze3A_846 = vector.extract %slice3A_845[0] : i32 from vector<1xi32>
      %dma_start3A_847 = arith.constant 0 : i32
      %dma_start3A_848 = tpu.memref_slice %arg8[%add3A_834, %dma_start3A_847] : memref<512x32xf32, #tpu.memory_space<vmem>> -> memref<1x32xf32, #tpu.memory_space<vmem>>
      %dma_start3A_849 = arith.constant 0 : i32
      %dma_start3A_850 = tpu.memref_slice %arg5[%squeeze3A_846, %dma_start3A_849] : memref<1000000x32xf32, #tpu.memory_space<hbm>> -> memref<1x32xf32, #tpu.memory_space<hbm>>
      %dma_start3A_851 = arith.constant 0 : i32
      %dma_start3A_852 = tpu.memref_slice %arg8[%add3A_834, %dma_start3A_851] : memref<512x32xf32, #tpu.memory_space<vmem>> -> memref<1x32xf32, #tpu.memory_space<vmem>>
      %dma_start3A_853 = arith.constant 0 : i32
      %dma_start3A_854 = tpu.memref_slice %arg5[%squeeze3A_846, %dma_start3A_853] : memref<1000000x32xf32, #tpu.memory_space<hbm>> -> memref<1x32xf32, #tpu.memory_space<hbm>>
      tpu.enqueue_dma source(%dma_start3A_854 : memref<1x32xf32, #tpu.memory_space<hbm>>) target(%dma_start3A_852 : memref<1x32xf32, #tpu.memory_space<vmem>>) target_semaphore(%arg10 : memref<!tpu.dma_semaphore, #tpu.memory_space<semaphore_mem>>)
      %mul3A_855 = arith.constant 16 : i32
      %mul3A_856 = arith.muli %scan3A_448, %mul3A_855 : i32
      %add3A_857 = arith.constant 15 : i32
      %add3A_858 = arith.addi %mul3A_856, %add3A_857 : i32
      %slice3A_859 = vector.extract_strided_slice %get3A_487 {offsets = [15], sizes = [1], strides = [1]} : vector<16xi32> to vector<1xi32>
      %squeeze3A_860 = vector.extract %slice3A_859[0] : i32 from vector<1xi32>
      %dma_start3A_861 = arith.constant 0 : i32
      %dma_start3A_862 = tpu.memref_slice %arg12[%add3A_858, %dma_start3A_861] : memref<512x32xf32, #tpu.memory_space<vmem>> -> memref<1x32xf32, #tpu.memory_space<vmem>>
      %dma_start3A_863 = arith.constant 0 : i32
      %dma_start3A_864 = tpu.memref_slice %arg4[%squeeze3A_860, %dma_start3A_863] : memref<1000000x32xf32, #tpu.memory_space<hbm>> -> memref<1x32xf32, #tpu.memory_space<hbm>>
      %dma_start3A_865 = arith.constant 0 : i32
      %dma_start3A_866 = tpu.memref_slice %arg12[%add3A_858, %dma_start3A_865] : memref<512x32xf32, #tpu.memory_space<vmem>> -> memref<1x32xf32, #tpu.memory_space<vmem>>
      %dma_start3A_867 = arith.constant 0 : i32
      %dma_start3A_868 = tpu.memref_slice %arg4[%squeeze3A_860, %dma_start3A_867] : memref<1000000x32xf32, #tpu.memory_space<hbm>> -> memref<1x32xf32, #tpu.memory_space<hbm>>
      tpu.enqueue_dma source(%dma_start3A_868 : memref<1x32xf32, #tpu.memory_space<hbm>>) target(%dma_start3A_866 : memref<1x32xf32, #tpu.memory_space<vmem>>) target_semaphore(%arg10 : memref<!tpu.dma_semaphore, #tpu.memory_space<semaphore_mem>>)
      %slice3A_869 = vector.extract_strided_slice %get3A_494 {offsets = [15], sizes = [1], strides = [1]} : vector<16xi32> to vector<1xi32>
      %squeeze3A_870 = vector.extract %slice3A_869[0] : i32 from vector<1xi32>
      %dma_start3A_871 = arith.constant 0 : i32
      %dma_start3A_872 = tpu.memref_slice %arg8[%add3A_858, %dma_start3A_871] : memref<512x32xf32, #tpu.memory_space<vmem>> -> memref<1x32xf32, #tpu.memory_space<vmem>>
      %dma_start3A_873 = arith.constant 0 : i32
      %dma_start3A_874 = tpu.memref_slice %arg5[%squeeze3A_870, %dma_start3A_873] : memref<1000000x32xf32, #tpu.memory_space<hbm>> -> memref<1x32xf32, #tpu.memory_space<hbm>>
      %dma_start3A_875 = arith.constant 0 : i32
      %dma_start3A_876 = tpu.memref_slice %arg8[%add3A_858, %dma_start3A_875] : memref<512x32xf32, #tpu.memory_space<vmem>> -> memref<1x32xf32, #tpu.memory_space<vmem>>
      %dma_start3A_877 = arith.constant 0 : i32
      %dma_start3A_878 = tpu.memref_slice %arg5[%squeeze3A_870, %dma_start3A_877] : memref<1000000x32xf32, #tpu.memory_space<hbm>> -> memref<1x32xf32, #tpu.memory_space<hbm>>
      tpu.enqueue_dma source(%dma_start3A_878 : memref<1x32xf32, #tpu.memory_space<hbm>>) target(%dma_start3A_876 : memref<1x32xf32, #tpu.memory_space<vmem>>) target_semaphore(%arg10 : memref<!tpu.dma_semaphore, #tpu.memory_space<semaphore_mem>>)
      %dma_wait3A_879 = arith.constant 0 : i32
      %dma_wait3A_880 = arith.constant 0 : i32
      %dma_wait3A_881 = tpu.memref_slice %arg12[%dma_wait3A_879, %dma_wait3A_880] : memref<512x32xf32, #tpu.memory_space<vmem>> -> memref<16x32xf32, #tpu.memory_space<vmem>>
      %dma_wait3A_882 = arith.constant 0 : i32
      %dma_wait3A_883 = arith.constant 0 : i32
      %dma_wait3A_884 = tpu.memref_slice %arg4[%dma_wait3A_882, %dma_wait3A_883] : memref<1000000x32xf32, #tpu.memory_space<hbm>> -> memref<16x32xf32, #tpu.memory_space<hbm>>
      %dma_wait3A_885 = arith.constant 0 : i32
      %dma_wait3A_886 = arith.constant 0 : i32
      %dma_wait3A_887 = tpu.memref_slice %arg12[%dma_wait3A_885, %dma_wait3A_886] : memref<512x32xf32, #tpu.memory_space<vmem>> -> memref<16x32xf32, #tpu.memory_space<vmem>>
      %dma_wait3A_888 = arith.constant 0 : i32
      %dma_wait3A_889 = arith.constant 0 : i32
      %dma_wait3A_890 = tpu.memref_slice %arg4[%dma_wait3A_888, %dma_wait3A_889] : memref<1000000x32xf32, #tpu.memory_space<hbm>> -> memref<16x32xf32, #tpu.memory_space<hbm>>
      tpu.wait_dma2 semaphore(%arg10 : memref<!tpu.dma_semaphore, #tpu.memory_space<semaphore_mem>>) src(%dma_wait3A_890 : memref<16x32xf32, #tpu.memory_space<hbm>>) dst(%dma_wait3A_887 : memref<16x32xf32, #tpu.memory_space<vmem>>)
      %dma_wait3A_891 = arith.constant 0 : i32
      %dma_wait3A_892 = arith.constant 0 : i32
      %dma_wait3A_893 = tpu.memref_slice %arg8[%dma_wait3A_891, %dma_wait3A_892] : memref<512x32xf32, #tpu.memory_space<vmem>> -> memref<16x32xf32, #tpu.memory_space<vmem>>
      %dma_wait3A_894 = arith.constant 0 : i32
      %dma_wait3A_895 = arith.constant 0 : i32
      %dma_wait3A_896 = tpu.memref_slice %arg5[%dma_wait3A_894, %dma_wait3A_895] : memref<1000000x32xf32, #tpu.memory_space<hbm>> -> memref<16x32xf32, #tpu.memory_space<hbm>>
      %dma_wait3A_897 = arith.constant 0 : i32
      %dma_wait3A_898 = arith.constant 0 : i32
      %dma_wait3A_899 = tpu.memref_slice %arg8[%dma_wait3A_897, %dma_wait3A_898] : memref<512x32xf32, #tpu.memory_space<vmem>> -> memref<16x32xf32, #tpu.memory_space<vmem>>
      %dma_wait3A_900 = arith.constant 0 : i32
      %dma_wait3A_901 = arith.constant 0 : i32
      %dma_wait3A_902 = tpu.memref_slice %arg5[%dma_wait3A_900, %dma_wait3A_901] : memref<1000000x32xf32, #tpu.memory_space<hbm>> -> memref<16x32xf32, #tpu.memory_space<hbm>>
      tpu.wait_dma2 semaphore(%arg10 : memref<!tpu.dma_semaphore, #tpu.memory_space<semaphore_mem>>) src(%dma_wait3A_902 : memref<16x32xf32, #tpu.memory_space<hbm>>) dst(%dma_wait3A_899 : memref<16x32xf32, #tpu.memory_space<vmem>>)
      %scan3A_903 = arith.constant 0 : i32
      scf.yield %scan3A_903 : i32
    }
    %scan3A_415 = arith.constant 31 : i32
    %dma_wait3A = arith.constant 0 : i32
    %dma_wait3A_416 = arith.constant 0 : i32
    %dma_wait3A_417 = tpu.memref_slice %arg12[%dma_wait3A, %dma_wait3A_416] : memref<512x32xf32, #tpu.memory_space<vmem>> -> memref<16x32xf32, #tpu.memory_space<vmem>>
    %dma_wait3A_418 = arith.constant 0 : i32
    %dma_wait3A_419 = arith.constant 0 : i32
    %dma_wait3A_420 = tpu.memref_slice %arg4[%dma_wait3A_418, %dma_wait3A_419] : memref<1000000x32xf32, #tpu.memory_space<hbm>> -> memref<16x32xf32, #tpu.memory_space<hbm>>
    %dma_wait3A_421 = arith.constant 0 : i32
    %dma_wait3A_422 = arith.constant 0 : i32
    %dma_wait3A_423 = tpu.memref_slice %arg12[%dma_wait3A_421, %dma_wait3A_422] : memref<512x32xf32, #tpu.memory_space<vmem>> -> memref<16x32xf32, #tpu.memory_space<vmem>>
    %dma_wait3A_424 = arith.constant 0 : i32
    %dma_wait3A_425 = arith.constant 0 : i32
    %dma_wait3A_426 = tpu.memref_slice %arg4[%dma_wait3A_424, %dma_wait3A_425] : memref<1000000x32xf32, #tpu.memory_space<hbm>> -> memref<16x32xf32, #tpu.memory_space<hbm>>
    tpu.wait_dma2 semaphore(%arg10 : memref<!tpu.dma_semaphore, #tpu.memory_space<semaphore_mem>>) src(%dma_wait3A_426 : memref<16x32xf32, #tpu.memory_space<hbm>>) dst(%dma_wait3A_423 : memref<16x32xf32, #tpu.memory_space<vmem>>)
    %dma_wait3A_427 = arith.constant 0 : i32
    %dma_wait3A_428 = arith.constant 0 : i32
    %dma_wait3A_429 = tpu.memref_slice %arg8[%dma_wait3A_427, %dma_wait3A_428] : memref<512x32xf32, #tpu.memory_space<vmem>> -> memref<16x32xf32, #tpu.memory_space<vmem>>
    %dma_wait3A_430 = arith.constant 0 : i32
    %dma_wait3A_431 = arith.constant 0 : i32
    %dma_wait3A_432 = tpu.memref_slice %arg5[%dma_wait3A_430, %dma_wait3A_431] : memref<1000000x32xf32, #tpu.memory_space<hbm>> -> memref<16x32xf32, #tpu.memory_space<hbm>>
    %dma_wait3A_433 = arith.constant 0 : i32
    %dma_wait3A_434 = arith.constant 0 : i32
    %dma_wait3A_435 = tpu.memref_slice %arg8[%dma_wait3A_433, %dma_wait3A_434] : memref<512x32xf32, #tpu.memory_space<vmem>> -> memref<16x32xf32, #tpu.memory_space<vmem>>
    %dma_wait3A_436 = arith.constant 0 : i32
    %dma_wait3A_437 = arith.constant 0 : i32
    %dma_wait3A_438 = tpu.memref_slice %arg5[%dma_wait3A_436, %dma_wait3A_437] : memref<1000000x32xf32, #tpu.memory_space<hbm>> -> memref<16x32xf32, #tpu.memory_space<hbm>>
    tpu.wait_dma2 semaphore(%arg10 : memref<!tpu.dma_semaphore, #tpu.memory_space<semaphore_mem>>) src(%dma_wait3A_438 : memref<16x32xf32, #tpu.memory_space<hbm>>) dst(%dma_wait3A_435 : memref<16x32xf32, #tpu.memory_space<vmem>>)
    %eq3A = arith.constant 15 : i32
    %eq3A_439 = vector.broadcast %eq3A : i32 to vector<16xi32>
    %eq3A_440 = arith.cmpi eq, %iota3A, %eq3A_439 : vector<16xi32>
    %scan3A_441 = arith.constant 0 : i32
    %scan3A_442 = arith.constant 0 : i32
    %scan3A_443 = arith.constant 512 : i32
    %scan3A_444 = arith.addi %scan3A_442, %scan3A_443 : i32
    %scan3A_445 = arith.constant 1 : i32
    %scan3A_446 = scf.for %scan3A_448 = %scan3A_442 to %scan3A_444 step %scan3A_445 iter_args(%scan3A_449 = %scan3A_441) -> (i32)  : i32 {
      %get3A_450 = arith.index_cast %scan3A_448 : i32 to index
      %get3A_451 = arith.constant 0 : index
      %get3A_452 = tpu.vector_load %arg12[%get3A_450, %get3A_451] {strides = array<i32>} : memref<512x32xf32, #tpu.memory_space<vmem>>, vector<16xf32>,
      %get3A_453 = arith.index_cast %scan3A_448 : i32 to index
      %get3A_454 = arith.constant 16 : index
      %get3A_455 = tpu.vector_load %arg12[%get3A_453, %get3A_454] {strides = array<i32>} : memref<512x32xf32, #tpu.memory_space<vmem>>, vector<16xf32>,
      %get3A_456 = arith.index_cast %scan3A_448 : i32 to index
      %get3A_457 = arith.constant 0 : index
      %get3A_458 = tpu.vector_load %arg8[%get3A_456, %get3A_457] {strides = array<i32>} : memref<512x32xf32, #tpu.memory_space<vmem>>, vector<16xf32>,
      %get3A_459 = arith.index_cast %scan3A_448 : i32 to index
      %get3A_460 = arith.constant 16 : index
      %get3A_461 = tpu.vector_load %arg8[%get3A_459, %get3A_460] {strides = array<i32>} : memref<512x32xf32, #tpu.memory_space<vmem>>, vector<16xf32>,
      %mul3A_462 = arith.mulf %get3A_452, %get3A_458 : vector<16xf32>
      %mul3A_463 = arith.mulf %get3A_455, %get3A_461 : vector<16xf32>
      %add3A_464 = arith.addf %mul3A_462, %mul3A_463 : vector<16xf32>
      %broadcast_in_dim3A = arith.constant true
      %broadcast_in_dim3A_465 = vector.broadcast %broadcast_in_dim3A : i1 to vector<16xi1>
      %masked_cumsum3A = tpu.scan <sum>, %add3A_464 masked %broadcast_in_dim3A_465 : vector<16xf32>, vector<16xi1> -> vector<16xf32>
      %broadcast_in_dim3A_466 = vector.broadcast %scan3A_448 : i32 to vector<16xi32>
      tpu.vector_store_idx %arg9[%broadcast_in_dim3A_466], %masked_cumsum3A masked %eq3A_440 : memref<512xf32, #tpu.memory_space<vmem>>[vector<16xi32>], vector<16xf32>, vector<16xi1>
      %scan3A_467 = arith.constant 0 : i32
      scf.yield %scan3A_467 : i32
    }
    %scan3A_447 = arith.constant 512 : i32
    "tpu.region"() ({
      %run_scoped3A_448 = tpu.sem_alloc : memref<!tpu.dma_semaphore, #tpu.memory_space<semaphore_mem>>
      %dma_start3A_449 = tpu.memref_slice %arg6[%mul3A_2] : memref<16384xf32, #tpu.memory_space<hbm>> -> memref<512xf32, #tpu.memory_space<hbm>>
      %dma_start3A_450 = tpu.memref_slice %arg6[%mul3A_2] : memref<16384xf32, #tpu.memory_space<hbm>> -> memref<512xf32, #tpu.memory_space<hbm>>
      tpu.enqueue_dma source(%arg9 : memref<512xf32, #tpu.memory_space<vmem>>) target(%dma_start3A_450 : memref<512xf32, #tpu.memory_space<hbm>>) target_semaphore(%run_scoped3A_448 : memref<!tpu.dma_semaphore, #tpu.memory_space<semaphore_mem>>)
      %dma_wait3A_451 = tpu.memref_slice %arg6[%mul3A_2] : memref<16384xf32, #tpu.memory_space<hbm>> -> memref<512xf32, #tpu.memory_space<hbm>>
      %dma_wait3A_452 = tpu.memref_slice %arg6[%mul3A_2] : memref<16384xf32, #tpu.memory_space<hbm>> -> memref<512xf32, #tpu.memory_space<hbm>>
      tpu.wait_dma2 semaphore(%run_scoped3A_448 : memref<!tpu.dma_semaphore, #tpu.memory_space<semaphore_mem>>) src(%arg9 : memref<512xf32, #tpu.memory_space<vmem>>) dst(%dma_wait3A_452 : memref<512xf32, #tpu.memory_space<hbm>>)
      tpu.yield
    }) : () -> ()
    return
  }
}

</mosaic_0001>

<sc_bundles>
// kernel: kernel.3.cloned.1.call-start
scs
__scs_entry_jumppad:
0x0: {  	(pc) =	sbr.rel $0x88, $3  }
0x1: {  	(tag) =	ssettag $0x0;
	lr =	simm.s32 $0x1  }
0x2: {  	[smem:$0x3F9D] =	sst lr;
	_ =	strace $0xD0000000  }
0x3: {  	_ = 	snop  }
0x4: {  	_ = 	snop  }
0x5: {  	_ = 	snop  }
0x6: {  	_ = 	snop  }
0x7: {  	_ = 	snop  }
__scs_overlays_trampoline_lowered:
0x8: {  	[smem:$0x3FAC] =	sst s0  }
0x9: {  	[smem:$0x3FAD] =	sst s1  }
0xa: {  	[smem:$0x3FAE] =	sst s2  }
0xb: {  	[smem:$0x3FAF] =	sst s3  }
0xc: {  	[smem:$0x3FB0] =	sst s4  }
0xd: {  	[smem:$0x3FB1] =	sst s5  }
0xe: {  	[smem:$0x3FB2] =	sst s6  }
0xf: {  	[smem:$0x3FB3] =	sst s7  }
0x10: {  	[smem:$0x3FB4] =	sst s8  }
0x11: {  	[smem:$0x3FB5] =	sst s9;
	s0 =	simm.s32 @!p0 $0x0  }
0x12: {  	s1 =	sld [smem:$0x3F9B];
	s0 =	simm.s32 @p0 $0x1  }
0x13: {  	[smem:$0x3FB6] =	sst s0;
	s0 =	simm.s32 @!p1 $0x0  }
0x14: {  	s2 =	sld [smem:$0x3F9A];
	s0 =	simm.s32 @p1 $0x1  }
0x15: {  	[smem:$0x3FB7] =	sst s0;
	s0 =	simm.s32 @!p2 $0x0  }
0x16: {  	s3 =	sld [smem:$0x3FDB];
	s0 =	simm.s32 @p2 $0x1  }
0x17: {  	s4 =	simm.s32 $0x1BF5;
	[smem:$0x3FB9] =	sst s0  }
0x18: {  	s0 =	sld [smem:$0x3F9C];
	_ =	swait.ge [sflag:s4], $0x0  }
0x19: {  	s7 =	sld [smem:$0x3F9D]  }
0x1a: {  	s8 =	sadd.s32 $0xFFFFE003, lr  }
0x1b: {  	s9 =	sadd.s32 $0xFFFFFEF7, lr;
	s5 =	simm.s32 $0xFFFFFFFF;
	p2 =	slt.u32 s8, $0xFFFFF086  }
0x1c: {  	p1 =	slt.u32 s9, $0xF7A;
	s5 =	simm.s32 @!p2 $0x0  }
0x1d: {  	s5 =	simm.s32 @p1 $0x1;
	p0 =	seq.s32 s7, s2  }
0x1e: {  	s7 =	smul.u32 @!p0 $0xF7A, s2;
	p2 =	seq.s32 @!p0 s5, $0x0  }
0x1f: {  	s9 =	smul.u32 $0xF7A, s1;
	s8 =	simm.s32 @!p0 $0x1BF5;
	p2 =	por !p2, p0  }
0x20: {  	[sflag:s8] =	ssyncset.s32 @!p0 $0xFFFFF086;
	s6 =	sadd.s32 @!p0 s3, s7;
	s7 =	simm.s32 @!p0 $0x108  }
0x21: {  	s3 =	sadd.s32 s3, s9;
	s6 =	sadd.s32 @!p0 $0x88, s6;
	s7 =	simm.s32 @p2 $0x1082  }
0x22: {  	[simem:s7], [sflag:s8] =	dma.local @!p0 [hbm:s6], $0xF7A  }
0x23: {  	s9 =	sor.u32 $0xD0000000, s2;
	s6 =	simm.s32 $0x108;
	_ =	swait.ge @!p0 [sflag:s8], $0x0  }
0x24: {  	s3 =	sadd.s32 $0x88, s3;
	s6 =	simm.s32 @!p1 $0x1082;
	[sflag:s4] =	ssyncset.s32 $0xFFFFF086  }
0x25: {  	[simem:s6], [sflag:s4] =	dma.local [hbm:s3], $0xF7A  }
0x26: {  	[smem:$0x3F9D] =	sst s1;
	(tag) =	ssettag s2;
	_ =	strace s9  }
0x27: {  	s1 =	sld [smem:$0x3FAD]  }
0x28: {  	s2 =	sld [smem:$0x3FAE]  }
0x29: {  	s4 =	sld [smem:$0x3FB0]  }
0x2a: {  	p0 =	seq.s32 s5, $0x0;
	s5 =	sld [smem:$0x3FB1]  }
0x2b: {  	s6 =	sld [smem:$0x3FB2]  }
0x2c: {  	s7 =	sld [smem:$0x3FB3]  }
0x2d: {  	s3 =	simm.s32 $0x108;
	s8 =	sld [smem:$0x3FB4]  }
0x2e: {  	s3 =	simm.s32 @!p0 $0x1082;
	s9 =	sld [smem:$0x3FB5]  }
0x2f: {  	lr =	sadd.s32 s0, s3;
	s0 =	sld [smem:$0x3FAC]  }
0x30: {  	s3 =	sld [smem:$0x3FAF]  }
0x31: {  	[smem:$0x3FB8] =	sst s10  }
0x32: {  	s10 =	sld [smem:$0x3FB6];
	_ =	sdelay $0x3  }
0x33: {  	p0 =	seq.s32 s10, $0x1;
	s10 =	sld [smem:$0x3FB8];
	_ =	sdelay $0x3  }
0x34: {  	[smem:$0x3FB8] =	sst s10  }
0x35: {  	s10 =	sld [smem:$0x3FB7];
	_ =	sdelay $0x3  }
0x36: {  	p1 =	seq.s32 s10, $0x1;
	s10 =	sld [smem:$0x3FB8];
	_ =	sdelay $0x3  }
0x37: {  	[smem:$0x3FB8] =	sst s10  }
0x38: {  	s10 =	sld [smem:$0x3FB9]  }
0x39: {  	_ = 	snop;
	(pc) =	sbr.ind lr, $3  }
0x3a: {  	_ = 	snop  }
0x3b: {  	_ = 	snop  }
0x3c: {  	p2 =	seq.s32 s10, $0x1;
	s10 =	sld [smem:$0x3FB8]  }
0x3d: {  	_ =	shalt  }
0x3e: {  	_ =	shalt  }
0x3f: {  	_ =	shalt  }
0x40: {  	_ =	shalt  }
0x41: {  	_ =	shalt  }
0x42: {  	_ =	shalt  }
0x43: {  	_ =	shalt  }
0x44: {  	_ =	shalt  }
0x45: {  	_ =	shalt  }
0x46: {  	_ =	shalt  }
0x47: {  	_ =	shalt  }
0x48: {  	_ =	shalt  }
0x49: {  	_ =	shalt  }
0x4a: {  	_ =	shalt  }
0x4b: {  	_ =	shalt  }
0x4c: {  	_ =	shalt  }
0x4d: {  	_ =	shalt  }
0x4e: {  	_ =	shalt  }
0x4f: {  	_ =	shalt  }
0x50: {  	_ =	shalt  }
0x51: {  	_ =	shalt  }
0x52: {  	_ =	shalt  }
0x53: {  	_ =	shalt  }
0x54: {  	_ =	shalt  }
0x55: {  	_ =	shalt  }
0x56: {  	_ =	shalt  }
0x57: {  	_ =	shalt  }
0x58: {  	_ =	shalt  }
0x59: {  	_ =	shalt  }
0x5a: {  	_ =	shalt  }
0x5b: {  	_ =	shalt  }
0x5c: {  	_ =	shalt  }
0x5d: {  	_ =	shalt  }
0x5e: {  	_ =	shalt  }
0x5f: {  	_ =	shalt  }
0x60: {  	_ =	shalt  }
0x61: {  	_ =	shalt  }
0x62: {  	_ =	shalt  }
0x63: {  	_ =	shalt  }
0x64: {  	_ =	shalt  }
0x65: {  	_ =	shalt  }
0x66: {  	_ =	shalt  }
0x67: {  	_ =	shalt  }
0x68: {  	_ =	shalt  }
0x69: {  	_ =	shalt  }
0x6a: {  	_ =	shalt  }
0x6b: {  	_ =	shalt  }
0x6c: {  	_ =	shalt  }
0x6d: {  	_ =	shalt  }
0x6e: {  	_ =	shalt  }
0x6f: {  	_ =	shalt  }
0x70: {  	_ =	shalt  }
0x71: {  	_ =	shalt  }
0x72: {  	_ =	shalt  }
0x73: {  	_ =	shalt  }
0x74: {  	_ =	shalt  }
0x75: {  	_ =	shalt  }
0x76: {  	_ =	shalt  }
0x77: {  	_ =	shalt  }
0x78: {  	_ =	shalt  }
0x79: {  	_ =	shalt  }
0x7a: {  	_ =	shalt  }
0x7b: {  	_ =	shalt  }
0x7c: {  	_ =	shalt  }
0x7d: {  	_ =	shalt  }
0x7e: {  	_ =	shalt  }
0x7f: {  	_ =	shalt  }
0x80: {  	_ =	shalt  }
0x81: {  	_ =	shalt  }
0x82: {  	_ =	shalt  }
0x83: {  	_ =	shalt  }
0x84: {  	_ =	shalt  }
0x85: {  	_ =	shalt  }
0x86: {  	_ =	shalt  }
0x87: {  	_ =	shalt  }
.Lfunc_end0:
.L_simem_size_0:
called_computation_lowered:
.L_overlay_start_0:
0x88: {  	s2 =	sld [smem:$0x3FD9]  }
0x89: {  	s3 =	sld [smem:$0x3FFE];
	_ =	sdelay $0x1  }
0x8a: {  	s1 =	srdreg.scid  }
0x8b: {  	s0 =	sand.u32 $0x1, s1  }
0x8c: {  	s17 =	sshll.u32 s0, $0xA;
	s2 =	sadd.s32 s3, s2  }
0x8d: {  	s2 =	sadd.s32 s2, s17  }
0x8e: {  	[smem:$0x3FC4] =	sst s2  }
0x8f: {  	_ = 	snop  }
0x90: {  	s2 =	sld [smem:$0x3FC9]  }
0x91: {  	s18 =	sld [smem:$0x3FC8]  }
0x92: {  	s4 =	sld [smem:$0x3FD0];
	(tm) =	ssettm $0x1  }
0x93: {  	s5 =	sld [smem:$0x3FFB];
	_ =	sdelay $0x3  }
0x94: {  	_ =	strace s5  }
0x95: {  	s5 =	sld [smem:$0x3FFC];
	_ =	sdelay $0x3  }
0x96: {  	_ =	strace s5  }
0x97: {  	s5 =	sld [smem:$0x3FFD];
	_ =	sdelay $0x3  }
0x98: {  	_ =	strace s5  }
0x99: {  	_ =	strace $0x8FFFFFFF  }
0x9a: {  	s19 =	sld [smem:$0x3FDB];
	_ =	sdelay $0x1  }
0x9b: {  	s6 =	simm.s32 $_scs_section_size  }
0x9c: {  	s7 =	simm.s32 $_size__tile_overlayer_lowered;
	s8 =	simm.s32 $_tile_overlayer_lowered  }
0x9d: {  	s22 =	simm.s32 $0x1BFF;
	s21 =	sshll.u32 s8, $0x1;
	s5 =	sadd.s32 s6, s19  }
0x9e: {  	s9 =	simm.s32 $0x0;
	s20 =	sshll.u32 s7, $0x1;
	s7 =	sadd.s32 s21, s5  }
0x9f: {  	[timem:s9], [sflag:s22] =	dma.local [hbm:s7], s20  }
0xa0: {  	_ =	swait.ge [sflag:s22], s20  }
0xa1: {  	s6 =	ssub.s32 $0x0, s20;
	[sflag:s22] =	ssyncset.done $0x0  }
0xa2: {  	[sflag:s22] =	ssyncadd.s32 s6;
	_ =	sdelay $0x1  }
0xa3: {  	s23 =	simm.s32 $0x1B8B  }
0xa4: {  	_ =	swait.ge [sflag:s23], $0x1  }
0xa5: {  	[sflag:s23] =	ssyncset.done $0x0  }
0xa6: {  	s25 =	simm.s32 $0x1B8E;
	s24 =	sld [smem:$0x3FFE];
	[sflag:s23] =	ssyncadd.s32 $0xFFFFFFFF  }
0xa7: {  	s26 =	simm.s32 $execute0_lowered;
	[smem:$0x3FD2] =	sst s25  }
0xa8: {  	s7 =	sshll.u32 s26, $0x1;
	_ =	strace $0x80000046;
	[dreg:$0x1] =	wrdreg $0xFFFFFFFF  }
0xa9: {  	s28 =	simm.s32 $_size_execute0_lowered;
	s5 =	sadd.s32 s5, s7;
	[dreg:$0x0] =	wrdreg $0x0  }
0xaa: {  	s7 =	sshll.u32 s28, $0x1;
	[dreg:$0x2] =	wrdreg s5  }
0xab: {  	[dreg:$0x3] =	wrdreg s7  }
0xac: {  	[dreg:$0x4] =	wrdreg $0xC0  }
0xad: {  	_ =	task [dreg:s9], $0x5FFFF  }
0xae: {  	[dreg:$0x1] =	wrdreg $0xFFFFFFFF  }
0xaf: {  	[dreg:$0x0] =	wrdreg $0x60  }
0xb0: {  	[dreg:$0x2] =	wrdreg s2  }
0xb1: {  	[dreg:$0x3] =	wrdreg s18  }
0xb2: {  	[dreg:$0x4] =	wrdreg s24  }
0xb3: {  	[dreg:$0x5] =	wrdreg s4  }
0xb4: {  	[dreg:$0x6] =	wrdreg $0x9  }
0xb5: {  	_ =	task.clear_ibuf [dreg:s9], $0x7FFFF;
	_ =	strace $0x90000046  }
0xb6: {  	s29 =	simm.s32 $0x9;
	_ =	strace $0x80000048  }
0xb7: {  	_ =	swait.ge [sflag:s29], $0x1  }
0xb8: {  	[sflag:s29] =	ssyncadd.s32 $0xFFFFFFFF  }
0xb9: {  	_ =	strace $0x90000048  }
0xba: {  	_ =	sfence  }
0xbb: {  	s30 =	sld [smem:$0x0];
	_ =	sdelay $0x2  }
0xbc: {  	s31 =	sshll.u32 s1, $0xD;
	s1 =	sshrl.u32 s1, $0x2  }
0xbd: {  	s3 =	sand.u32 $0x4000, s31;
	s1 =	sadd.s32 s1, s30  }
0xbe: {  	s0 =	sor.u32 s3, s0;
	s1 =	sshll.u32 s1, $0x11  }
0xbf: {  	s0 =	sor.u32 s1, s0  }
0xc0: {  	s0 =	sadd.s32 $0x8F2B, s0  }
0xc1: {  	[sflag:s0] =	ssyncadd.remote.s32 $0x1  }
0xc2: {  	_ =	sfence.sel $0xFFFF  }
0xc3: {  	[dreg:$0x0] =	wrdreg $0xFFFFFFFF;
	(pc) =	sbr.abs _section_cstart, $3  }
0xc4: {  	[dreg:$0x1] =	wrdreg $0xFFFFFFFF  }
0xc5: {  	_ =	task.clear_ibuf [dreg:s9], $0x2FFFF;
	_ =	strace $0x9FFFFFFF  }
0xc6: {  	(tm) =	ssettm $0x7FFFFFFF  }
0xc7: {  	_ =	shalt  }
tec
execute0_lowered:
.L_overlay_start_1:
0x0: {  	(tag) =	ssettag $0x1  }
0x1: {  	s0 =	rddreg [dreg:$0x0]  }
0x2: {  	s2 =	rddreg [dreg:$0x1];
	s6 =	srdreg.scid  }
0x3: {  	s4 =	rddreg [dreg:$0x2];
	s8 =	stileid.u32;
	s6 =	sand.u32 $0x1, s6  }
0x4: {  	s8 =	sshll.u32 s8, $0x7;
	s7 =	ssub.s32 $0x2, s6;
	s6 =	sshll.u32 s6, $0x6  }
0x5: {  	s5 =	rddreg [dreg:$0x3];
	s1 =	simm.s32 $0x0;
	s6 =	sor.u32 s6, s8  }
0x6: {  	[smem:$0x7FF] =	sst s1;
	s8 =	sadd.s32 s0, s6  }
0x7: {  	_ =	strace $0x80000047;
	s23 =	sadd.s32 s2, s6;
	[dreg:$0xd] =	wrdreg s8  }
0x8: {  	s22 =	sor.u32 $0x10, s6;
	s30 =	sadd.s32 s5, s6;
	[dreg:$0xe] =	wrdreg s23  }
0x9: {  	s9 =	sshrl.u32 s7, $0x1;
	s24 =	sadd.s32 s0, s22;
	[dreg:$0x15] =	wrdreg s30  }
0xa: {  	s25 =	sor.u32 $0x20, s6;
	s8 =	sadd.s32 s2, s22;
	[dreg:$0xf] =	wrdreg s24  }
0xb: {  	s7 =	ssub.s32 s7, s9;
	s26 =	sadd.s32 s0, s25;
	[dreg:$0x10] =	wrdreg s8  }
0xc: {  	s28 =	sor.u32 $0x30, s6;
	s9 =	sadd.s32 s2, s25;
	[dreg:$0x11] =	wrdreg s26  }
0xd: {  	s3 =	sadd.s32 $0xF42800, s4;
	s0 =	sadd.s32 s0, s28;
	[dreg:$0x12] =	wrdreg s9  }
0xe: {  	s4 =	sadd.s32 $0x1313200, s4;
	s29 =	sadd.s32 s2, s28;
	[dreg:$0x13] =	wrdreg s0  }
0xf: {  	s5 =	simm.s32 $0x2;
	s31 =	smax.u32 s7, $0x1;
	[dreg:$0x14] =	wrdreg s29  }
0x10: {  	vm0 =	vcmask $0x3F3C;
	s2 =	simm.s32 $0x0;
	[dreg:$0x16] =	wrdreg s31;
	s9 =	simm.s32 $0x1  }
.LBB2_1:
0x11: {  	[dreg:$0x17] =	wrdreg s2  }
0x12: {  	s0 =	rddreg [dreg:$0xd];
	s11 =	simm.s32 $0x4400  }
0x13: {  	[tilespmem:s11], [sflag:$0x2] =	stream.linear.gather [hbm4b:s0+s1], $0x80, $0x38;
	[tilespmem:$0x8600] =	vst v63  }
0x14: {  	_ =	swait.ge [sflag:s5], $0x80  }
0x15: {  	[sflag:s5] =	ssyncset.done $0x0  }
0x16: {  	s12 =	rddreg [dreg:$0xe];
	[sflag:s5] =	ssyncadd.s32 $0xFFFFFF80  }
0x17: {  	[tilespmem:s1], [sflag:$0x2] =	stream.linear.gather [hbm4b:s12+s1], $0x80, $0x38;
	[tilespmem:$0x8600] =	vst v63  }
0x18: {  	_ =	swait.ge [sflag:s5], $0x80  }
0x19: {  	[sflag:s5] =	ssyncset.done $0x0  }
0x1a: {  	s14 =	simm.s32 $0x4480;
	s13 =	rddreg [dreg:$0xf];
	[sflag:s5] =	ssyncadd.s32 $0xFFFFFF80  }
0x1b: {  	[tilespmem:s14], [sflag:$0x2] =	stream.linear.gather [hbm4b:s13+s1], $0x80, $0x38;
	[tilespmem:$0x8600] =	vst v63  }
0x1c: {  	_ =	swait.ge [sflag:s5], $0x80  }
0x1d: {  	[sflag:s5] =	ssyncset.done $0x0  }
0x1e: {  	s16 =	simm.s32 $0x80;
	s15 =	rddreg [dreg:$0x10];
	[sflag:s5] =	ssyncadd.s32 $0xFFFFFF80  }
0x1f: {  	[tilespmem:s16], [sflag:$0x2] =	stream.linear.gather [hbm4b:s15+s1], $0x80, $0x38;
	[tilespmem:$0x8600] =	vst v63  }
0x20: {  	_ =	swait.ge [sflag:s5], $0x80  }
0x21: {  	[sflag:s5] =	ssyncset.done $0x0  }
0x22: {  	s18 =	simm.s32 $0x4500;
	s17 =	rddreg [dreg:$0x11];
	[sflag:s5] =	ssyncadd.s32 $0xFFFFFF80  }
0x23: {  	[tilespmem:s18], [sflag:$0x2] =	stream.linear.gather [hbm4b:s17+s1], $0x80, $0x38;
	[tilespmem:$0x8600] =	vst v63  }
0x24: {  	_ =	swait.ge [sflag:s5], $0x80  }
0x25: {  	[sflag:s5] =	ssyncset.done $0x0  }
0x26: {  	s20 =	simm.s32 $0x100;
	s19 =	rddreg [dreg:$0x12];
	[sflag:s5] =	ssyncadd.s32 $0xFFFFFF80  }
0x27: {  	[tilespmem:s20], [sflag:$0x2] =	stream.linear.gather [hbm4b:s19+s1], $0x80, $0x38;
	[tilespmem:$0x8600] =	vst v63  }
0x28: {  	_ =	swait.ge [sflag:s5], $0x80  }
0x29: {  	[sflag:s5] =	ssyncset.done $0x0  }
0x2a: {  	s22 =	simm.s32 $0x4580;
	s21 =	rddreg [dreg:$0x13];
	[sflag:s5] =	ssyncadd.s32 $0xFFFFFF80  }
0x2b: {  	[tilespmem:s22], [sflag:$0x2] =	stream.linear.gather [hbm4b:s21+s1], $0x80, $0x38;
	[tilespmem:$0x8600] =	vst v63  }
0x2c: {  	_ =	swait.ge [sflag:s5], $0x80  }
0x2d: {  	[sflag:s5] =	ssyncset.done $0x0  }
0x2e: {  	s24 =	simm.s32 $0x180;
	s23 =	rddreg [dreg:$0x14];
	[sflag:s5] =	ssyncadd.s32 $0xFFFFFF80  }
0x2f: {  	[tilespmem:s24], [sflag:$0x2] =	stream.linear.gather [hbm4b:s23+s1], $0x80, $0x38;
	[tilespmem:$0x8600] =	vst v63  }
0x30: {  	_ =	swait.ge [sflag:s5], $0x80  }
0x31: {  	[sflag:s5] =	ssyncset.done $0x0  }
0x32: {  	[sflag:s5] =	ssyncadd.s32 $0xFFFFFF80  }
0x33: {  	v0 =	vld [tilespmem:$0x4400]  }
0x34: {  	v2 =	vld [tilespmem:$0x0];
	_ =	sdelay $0x3  }
0x35: {  	v1 =	vshll.u32 v0, $0x2  }
0x36: {  	v61 =	vshll.u32 v2, $0x2;
	(v2sf) =	vpush v1, $0x0  }
0x37: {  	(v2sf) =	vpush v61, $0x0  }
0x38: {  	(v2sf) =	vpush v1, $0x1;
	_ =	sdelay $0x1  }
0x39: {  	(v2sf) =	vpush v61, $0x1  }
0x3a: {  	(v2sf) =	vpush v1, $0x2;
	_ =	sdelay $0x1  }
0x3b: {  	(v2sf) =	vpush v61, $0x2;
	_ =	sdelay $0x1  }
0x3c: {  	(v2sf) =	vpush v1, $0x3;
	_ =	sdelay $0x2  }
0x3d: {  	(v2sf) =	vpush v61, $0x3;
	_ =	sdelay $0x2  }
0x3e: {  	s25 =	spop (v2sf)  }
0x3f: {  	s0 =	sand.u32 $0x1FFFFFFC, s25;
	s28 =	spop (v2sf)  }
0x40: {  	s26 =	simm.s32 $0x4600;
	s0 =	sadd.s32 s3, s0;
	s30 =	spop (v2sf)  }
0x41: {  	[tilespmem:s26], [sflag:$0x1] =	stream.linear.gather [hbm4b:s0+s1], $0x20, $0x38;
	[tilespmem:$0x8600] =	vst v63  }
0x42: {  	s2 =	spop (v2sf)  }
0x43: {  	s6 =	spop (v2sf);
	(v2sf) =	vpush v1, $0x4  }
0x44: {  	s0 =	sand.u32 $0x1FFFFFFC, s28  }
0x45: {  	s29 =	simm.s32 $0x200;
	s0 =	sadd.s32 s4, s0;
	s8 =	spop (v2sf);
	(v2sf) =	vpush v61, $0x4  }
0x46: {  	[tilespmem:s29], [sflag:$0x1] =	stream.linear.gather [hbm4b:s0+s1], $0x20, $0x38;
	[tilespmem:$0x8600] =	vst v63  }
0x47: {  	s0 =	sand.u32 $0x1FFFFFFC, s30;
	s11 =	spop (v2sf);
	(v2sf) =	vpush v1, $0x5  }
0x48: {  	s31 =	simm.s32 $0x4620;
	s0 =	sadd.s32 s3, s0  }
0x49: {  	[tilespmem:s31], [sflag:$0x1] =	stream.linear.gather [hbm4b:s0+s1], $0x20, $0x38;
	[tilespmem:$0x8600] =	vst v63  }
0x4a: {  	s13 =	spop (v2sf);
	(v2sf) =	vpush v61, $0x5  }
0x4b: {  	s0 =	sand.u32 $0x1FFFFFFC, s2  }
0x4c: {  	s5 =	simm.s32 $0x220;
	s0 =	sadd.s32 s4, s0  }
0x4d: {  	[tilespmem:s5], [sflag:$0x1] =	stream.linear.gather [hbm4b:s0+s1], $0x20, $0x38;
	[tilespmem:$0x8600] =	vst v63  }
0x4e: {  	s0 =	sand.u32 $0x1FFFFFFC, s6  }
0x4f: {  	s7 =	simm.s32 $0x4640;
	s0 =	sadd.s32 s3, s0  }
0x50: {  	[tilespmem:s7], [sflag:$0x1] =	stream.linear.gather [hbm4b:s0+s1], $0x20, $0x38;
	[tilespmem:$0x8600] =	vst v63  }
0x51: {  	s0 =	sand.u32 $0x1FFFFFFC, s8  }
0x52: {  	s10 =	simm.s32 $0x240;
	s0 =	sadd.s32 s4, s0;
	s15 =	spop (v2sf);
	(v2sf) =	vpush v1, $0x6  }
0x53: {  	[tilespmem:s10], [sflag:$0x1] =	stream.linear.gather [hbm4b:s0+s1], $0x20, $0x38;
	[tilespmem:$0x8600] =	vst v63  }
0x54: {  	s17 =	spop (v2sf);
	(v2sf) =	vpush v61, $0x6  }
0x55: {  	s0 =	sand.u32 $0x1FFFFFFC, s11  }
0x56: {  	s12 =	simm.s32 $0x4660;
	s0 =	sadd.s32 s3, s0;
	s19 =	spop (v2sf);
	(v2sf) =	vpush v1, $0x7  }
0x57: {  	[tilespmem:s12], [sflag:$0x1] =	stream.linear.gather [hbm4b:s0+s1], $0x20, $0x38;
	[tilespmem:$0x8600] =	vst v63  }
0x58: {  	s0 =	sand.u32 $0x1FFFFFFC, s13  }
0x59: {  	s14 =	simm.s32 $0x260;
	s0 =	sadd.s32 s4, s0;
	s21 =	spop (v2sf);
	(v2sf) =	vpush v61, $0x7  }
0x5a: {  	[tilespmem:s14], [sflag:$0x1] =	stream.linear.gather [hbm4b:s0+s1], $0x20, $0x38;
	[tilespmem:$0x8600] =	vst v63  }
0x5b: {  	s0 =	sand.u32 $0x1FFFFFFC, s15  }
0x5c: {  	s16 =	simm.s32 $0x4680;
	s0 =	sadd.s32 s3, s0  }
0x5d: {  	[tilespmem:s16], [sflag:$0x1] =	stream.linear.gather [hbm4b:s0+s1], $0x20, $0x38;
	[tilespmem:$0x8600] =	vst v63  }
0x5e: {  	s0 =	sand.u32 $0x1FFFFFFC, s17  }
0x5f: {  	s18 =	simm.s32 $0x280;
	s0 =	sadd.s32 s4, s0  }
0x60: {  	[tilespmem:s18], [sflag:$0x1] =	stream.linear.gather [hbm4b:s0+s1], $0x20, $0x38;
	[tilespmem:$0x8600] =	vst v63  }
0x61: {  	s23 =	spop (v2sf);
	(v2sf) =	vpush v1, $0x8  }
0x62: {  	s0 =	sand.u32 $0x1FFFFFFC, s19  }
0x63: {  	s20 =	simm.s32 $0x46A0;
	s0 =	sadd.s32 s3, s0;
	s25 =	spop (v2sf);
	(v2sf) =	vpush v61, $0x8  }
0x64: {  	[tilespmem:s20], [sflag:$0x1] =	stream.linear.gather [hbm4b:s0+s1], $0x20, $0x38;
	[tilespmem:$0x8600] =	vst v63  }
0x65: {  	s0 =	sand.u32 $0x1FFFFFFC, s21;
	s28 =	spop (v2sf);
	(v2sf) =	vpush v1, $0x9  }
0x66: {  	s22 =	simm.s32 $0x2A0;
	s0 =	sadd.s32 s4, s0  }
0x67: {  	[tilespmem:s22], [sflag:$0x1] =	stream.linear.gather [hbm4b:s0+s1], $0x20, $0x38;
	[tilespmem:$0x8600] =	vst v63  }
0x68: {  	s30 =	spop (v2sf);
	(v2sf) =	vpush v61, $0x9  }
0x69: {  	s0 =	sand.u32 $0x1FFFFFFC, s23  }
0x6a: {  	s24 =	simm.s32 $0x46C0;
	s0 =	sadd.s32 s3, s0  }
0x6b: {  	[tilespmem:s24], [sflag:$0x1] =	stream.linear.gather [hbm4b:s0+s1], $0x20, $0x38;
	[tilespmem:$0x8600] =	vst v63  }
0x6c: {  	s0 =	sand.u32 $0x1FFFFFFC, s25  }
0x6d: {  	s26 =	simm.s32 $0x2C0;
	s0 =	sadd.s32 s4, s0  }
0x6e: {  	[tilespmem:s26], [sflag:$0x1] =	stream.linear.gather [hbm4b:s0+s1], $0x20, $0x38;
	[tilespmem:$0x8600] =	vst v63  }
0x6f: {  	s0 =	sand.u32 $0x1FFFFFFC, s28  }
0x70: {  	s29 =	simm.s32 $0x46E0;
	s0 =	sadd.s32 s3, s0;
	s2 =	spop (v2sf);
	(v2sf) =	vpush v1, $0xA  }
0x71: {  	[tilespmem:s29], [sflag:$0x1] =	stream.linear.gather [hbm4b:s0+s1], $0x20, $0x38;
	[tilespmem:$0x8600] =	vst v63  }
0x72: {  	s6 =	spop (v2sf);
	(v2sf) =	vpush v61, $0xA  }
0x73: {  	s0 =	sand.u32 $0x1FFFFFFC, s30  }
0x74: {  	s31 =	simm.s32 $0x2E0;
	s0 =	sadd.s32 s4, s0;
	s8 =	spop (v2sf);
	(v2sf) =	vpush v1, $0xB  }
0x75: {  	[tilespmem:s31], [sflag:$0x1] =	stream.linear.gather [hbm4b:s0+s1], $0x20, $0x38;
	[tilespmem:$0x8600] =	vst v63  }
0x76: {  	s0 =	sand.u32 $0x1FFFFFFC, s2  }
0x77: {  	s5 =	simm.s32 $0x4700;
	s0 =	sadd.s32 s3, s0;
	s11 =	spop (v2sf);
	(v2sf) =	vpush v61, $0xB  }
0x78: {  	[tilespmem:s5], [sflag:$0x1] =	stream.linear.gather [hbm4b:s0+s1], $0x20, $0x38;
	[tilespmem:$0x8600] =	vst v63  }
0x79: {  	s0 =	sand.u32 $0x1FFFFFFC, s6  }
0x7a: {  	s7 =	simm.s32 $0x300;
	s0 =	sadd.s32 s4, s0  }
0x7b: {  	[tilespmem:s7], [sflag:$0x1] =	stream.linear.gather [hbm4b:s0+s1], $0x20, $0x38;
	[tilespmem:$0x8600] =	vst v63  }
0x7c: {  	s0 =	sand.u32 $0x1FFFFFFC, s8  }
0x7d: {  	s10 =	simm.s32 $0x4720;
	s0 =	sadd.s32 s3, s0  }
0x7e: {  	[tilespmem:s10], [sflag:$0x1] =	stream.linear.gather [hbm4b:s0+s1], $0x20, $0x38;
	[tilespmem:$0x8600] =	vst v63  }
0x7f: {  	s13 =	spop (v2sf);
	(v2sf) =	vpush v1, $0xC  }
0x80: {  	s0 =	sand.u32 $0x1FFFFFFC, s11  }
0x81: {  	s12 =	simm.s32 $0x320;
	s0 =	sadd.s32 s4, s0;
	s15 =	spop (v2sf);
	(v2sf) =	vpush v61, $0xC  }
0x82: {  	[tilespmem:s12], [sflag:$0x1] =	stream.linear.gather [hbm4b:s0+s1], $0x20, $0x38;
	[tilespmem:$0x8600] =	vst v63  }
0x83: {  	s0 =	sand.u32 $0x1FFFFFFC, s13;
	s17 =	spop (v2sf);
	(v2sf) =	vpush v1, $0xD  }
0x84: {  	s14 =	simm.s32 $0x4740;
	s0 =	sadd.s32 s3, s0  }
0x85: {  	[tilespmem:s14], [sflag:$0x1] =	stream.linear.gather [hbm4b:s0+s1], $0x20, $0x38;
	[tilespmem:$0x8600] =	vst v63  }
0x86: {  	s19 =	spop (v2sf);
	(v2sf) =	vpush v61, $0xD  }
0x87: {  	s0 =	sand.u32 $0x1FFFFFFC, s15  }
0x88: {  	s16 =	simm.s32 $0x340;
	s0 =	sadd.s32 s4, s0  }
0x89: {  	[tilespmem:s16], [sflag:$0x1] =	stream.linear.gather [hbm4b:s0+s1], $0x20, $0x38;
	[tilespmem:$0x8600] =	vst v63  }
0x8a: {  	s0 =	sand.u32 $0x1FFFFFFC, s17  }
0x8b: {  	s18 =	simm.s32 $0x4760;
	s0 =	sadd.s32 s3, s0  }
0x8c: {  	[tilespmem:s18], [sflag:$0x1] =	stream.linear.gather [hbm4b:s0+s1], $0x20, $0x38;
	[tilespmem:$0x8600] =	vst v63  }
0x8d: {  	s0 =	sand.u32 $0x1FFFFFFC, s19  }
0x8e: {  	s20 =	simm.s32 $0x360;
	s0 =	sadd.s32 s4, s0;
	s21 =	spop (v2sf);
	(v2sf) =	vpush v1, $0xE  }
0x8f: {  	[tilespmem:s20], [sflag:$0x1] =	stream.linear.gather [hbm4b:s0+s1], $0x20, $0x38;
	[tilespmem:$0x8600] =	vst v63  }
0x90: {  	s23 =	spop (v2sf);
	(v2sf) =	vpush v61, $0xE  }
0x91: {  	s0 =	sand.u32 $0x1FFFFFFC, s21  }
0x92: {  	s22 =	simm.s32 $0x4780;
	s0 =	sadd.s32 s3, s0;
	s25 =	spop (v2sf)  }
0x93: {  	(v2sf) =	vpush v1, $0xF;
	[tilespmem:s22], [sflag:$0x1] =	stream.linear.gather [hbm4b:s0+s1], $0x20, $0x38;
	[tilespmem:$0x8600] =	vst v63  }
0x94: {  	s0 =	sand.u32 $0x1FFFFFFC, s23  }
0x95: {  	s24 =	simm.s32 $0x380;
	s28 =	spop (v2sf);
	s0 =	sadd.s32 s4, s0  }
0x96: {  	(v2sf) =	vpush v61, $0xF;
	[tilespmem:s24], [sflag:$0x1] =	stream.linear.gather [hbm4b:s0+s1], $0x20, $0x38;
	[tilespmem:$0x8600] =	vst v63  }
0x97: {  	s0 =	sand.u32 $0x1FFFFFFC, s25  }
0x98: {  	s26 =	simm.s32 $0x47A0;
	s0 =	sadd.s32 s3, s0  }
0x99: {  	[tilespmem:s26], [sflag:$0x1] =	stream.linear.gather [hbm4b:s0+s1], $0x20, $0x38;
	[tilespmem:$0x8600] =	vst v63  }
0x9a: {  	s0 =	sand.u32 $0x1FFFFFFC, s28  }
0x9b: {  	s29 =	simm.s32 $0x3A0;
	s0 =	sadd.s32 s4, s0  }
0x9c: {  	[tilespmem:s29], [sflag:$0x1] =	stream.linear.gather [hbm4b:s0+s1], $0x20, $0x38;
	[tilespmem:$0x8600] =	vst v63  }
0x9d: {  	s30 =	spop (v2sf)  }
0x9e: {  	s0 =	sand.u32 $0x1FFFFFFC, s30  }
0x9f: {  	s31 =	simm.s32 $0x47C0;
	s5 =	spop (v2sf);
	s0 =	sadd.s32 s3, s0  }
0xa0: {  	[tilespmem:s31], [sflag:$0x1] =	stream.linear.gather [hbm4b:s0+s1], $0x20, $0x38;
	[tilespmem:$0x8600] =	vst v63  }
0xa1: {  	s0 =	sand.u32 $0x1FFFFFFC, s5  }
0xa2: {  	s6 =	simm.s32 $0x3C0;
	s7 =	spop (v2sf);
	s0 =	sadd.s32 s4, s0  }
0xa3: {  	[tilespmem:s6], [sflag:$0x1] =	stream.linear.gather [hbm4b:s0+s1], $0x20, $0x38;
	[tilespmem:$0x8600] =	vst v63  }
0xa4: {  	s0 =	sand.u32 $0x1FFFFFFC, s7  }
0xa5: {  	s8 =	simm.s32 $0x47E0;
	s10 =	spop (v2sf);
	s0 =	sadd.s32 s3, s0  }
0xa6: {  	[tilespmem:s8], [sflag:$0x1] =	stream.linear.gather [hbm4b:s0+s1], $0x20, $0x38;
	[tilespmem:$0x8600] =	vst v63  }
0xa7: {  	s0 =	sand.u32 $0x1FFFFFFC, s10  }
0xa8: {  	s11 =	simm.s32 $0x3E0;
	s12 =	simm.s32 $0x10;
	s0 =	sadd.s32 s4, s0  }
0xa9: {  	[tilespmem:s11], [sflag:$0x1] =	stream.linear.gather [hbm4b:s0+s1], $0x20, $0x38;
	[tilespmem:$0x8600] =	vst v63  }
0xaa: {  	s0 =	sand.u32 $0x1F0, s12  }
0xab: {  	v62 =	vld [tilespmem:s0+$0x0]  }
0xac: {  	v63 =	vld [tilespmem:s0+$0x4400];
	_ =	sdelay $0x3  }
0xad: {  	v0 =	vshll.u32 v62, $0x2  }
0xae: {  	v1 =	vshll.u32 v63, $0x2;
	(v2sf) =	vpush v0, $0x0  }
0xaf: {  	(v2sf) =	vpush v1, $0x0  }
0xb0: {  	(v2sf) =	vpush v1, $0x1  }
0xb1: {  	(v2sf) =	vpush v0, $0x1;
	_ =	sdelay $0x1  }
0xb2: {  	(v2sf) =	vpush v1, $0x2  }
0xb3: {  	(v2sf) =	vpush v0, $0x2;
	_ =	sdelay $0x1  }
0xb4: {  	(v2sf) =	vpush v1, $0x3  }
0xb5: {  	(v2sf) =	vpush v0, $0x3;
	_ =	sdelay $0x2  }
0xb6: {  	s2 =	simm.s32 $0x48A0  }
0xb7: {  	s18 =	simm.s32 $0x4820;
	s21 =	simm.s32 $0x420;
	s23 =	simm.s32 $0x4840  }
0xb8: {  	s24 =	simm.s32 $0x800;
	s25 =	simm.s32 $0x0;
	s28 =	simm.s32 $0x440  }
0xb9: {  	s6 =	simm.s32 $0x400;
	s7 =	simm.s32 $0x4800;
	s13 =	spop (v2sf)  }
0xba: {  	s10 =	simm.s32 $0x4860;
	s12 =	simm.s32 $0x460;
	s14 =	spop (v2sf)  }
0xbb: {  	s0 =	simm.s32 $0x500;
	(v2sf) =	vpush v1, $0x4;
	s5 =	sand.u32 $0x1FFFFFFC, s14;
	s16 =	spop (v2sf)  }
0xbc: {  	s8 =	sand.u32 $0x1FFFFFFC, s13;
	s15 =	sadd.s32 s3, s5;
	s19 =	spop (v2sf)  }
0xbd: {  	(v2sf) =	vpush v0, $0x4;
	[tilespmem:s7], [sflag:$0x1] =	stream.linear.gather [hbm4b:s15+s1], $0x20, $0x38;
	[tilespmem:$0x8600] =	vst v63  }
0xbe: {  	s17 =	sadd.s32 s4, s8;
	(v2sf) =	vpush v1, $0x5;
	s14 =	simm.s32 $0x4880;
	s20 =	spop (v2sf)  }
0xbf: {  	s8 =	simm.s32 $0x48E0;
	s5 =	sand.u32 $0x1FFFFFFC, s16;
	s26 =	spop (v2sf)  }
0xc0: {  	[tilespmem:s6], [sflag:$0x1] =	stream.linear.gather [hbm4b:s17+s1], $0x20, $0x38;
	[tilespmem:$0x8600] =	vst v63  }
0xc1: {  	s7 =	sand.u32 $0x1FFFFFFC, s19;
	s5 =	sadd.s32 s3, s5;
	s30 =	spop (v2sf)  }
0xc2: {  	(v2sf) =	vpush v0, $0x5;
	s22 =	sand.u32 $0x1FFFFFFC, s20;
	s7 =	sadd.s32 s4, s7;
	s31 =	spop (v2sf)  }
0xc3: {  	[tilespmem:s18], [sflag:$0x1] =	stream.linear.gather [hbm4b:s5+s1], $0x20, $0x38;
	[tilespmem:$0x8600] =	vst v63  }
0xc4: {  	(v2sf) =	vpush v1, $0x6;
	s6 =	sadd.s32 s3, s22;
	s29 =	sand.u32 $0x1FFFFFFC, s26;
	s11 =	sand.u32 $0x1FFFFFFC, s31  }
0xc5: {  	[tilespmem:s21], [sflag:$0x1] =	stream.linear.gather [hbm4b:s7+s1], $0x20, $0x38;
	[tilespmem:$0x8600] =	vst v63  }
0xc6: {  	(v2sf) =	vpush v0, $0x6;
	s18 =	simm.s32 $0x480;
	s5 =	simm.s32 $0x520;
	s7 =	sand.u32 $0x1FFFFFFC, s30  }
0xc7: {  	[tilespmem:s23], [sflag:$0x1] =	stream.linear.gather [hbm4b:s6+s1], $0x20, $0x38;
	[tilespmem:$0x8600] =	vst v63  }
0xc8: {  	(v2sf) =	vpush v1, $0x7;
	s21 =	simm.s32 $0x4A0;
	s30 =	simm.s32 $0x4C0;
	s6 =	sadd.s32 s4, s29  }
0xc9: {  	[tilespmem:s28], [sflag:$0x1] =	stream.linear.gather [hbm4b:s6+s1], $0x20, $0x38;
	[tilespmem:$0x8600] =	vst v63  }
0xca: {  	s7 =	sadd.s32 s3, s7;
	s6 =	sadd.s32 s4, s11;
	s13 =	spop (v2sf)  }
0xcb: {  	[tilespmem:s10], [sflag:$0x1] =	stream.linear.gather [hbm4b:s7+s1], $0x20, $0x38;
	[tilespmem:$0x8600] =	vst v63  }
0xcc: {  	s28 =	simm.s32 $0x48C0;
	(v2sf) =	vpush v0, $0x7;
	s15 =	sand.u32 $0x1FFFFFFC, s13;
	s16 =	spop (v2sf)  }
0xcd: {  	(v2sf) =	vpush v1, $0x8;
	s13 =	simm.s32 $0x4E0;
	s7 =	sand.u32 $0x1FFFFFFC, s16;
	s17 =	spop (v2sf)  }
0xce: {  	[tilespmem:s12], [sflag:$0x1] =	stream.linear.gather [hbm4b:s6+s1], $0x20, $0x38;
	[tilespmem:$0x8600] =	vst v63  }
0xcf: {  	(v2sf) =	vpush v0, $0x8;
	s6 =	sadd.s32 s3, s15;
	s19 =	sand.u32 $0x1FFFFFFC, s17;
	s7 =	sadd.s32 s4, s7  }
0xd0: {  	(v2sf) =	vpush v1, $0x9;
	[tilespmem:s14], [sflag:$0x1] =	stream.linear.gather [hbm4b:s6+s1], $0x20, $0x38;
	[tilespmem:$0x8600] =	vst v63  }
0xd1: {  	s20 =	spop (v2sf);
	s15 =	simm.s32 $0x4900;
	s17 =	simm.s32 $0x4940  }
0xd2: {  	(v2sf) =	vpush v0, $0x9;
	[tilespmem:s18], [sflag:$0x1] =	stream.linear.gather [hbm4b:s7+s1], $0x20, $0x38;
	[tilespmem:$0x8600] =	vst v63  }
0xd3: {  	s22 =	sand.u32 $0x1FFFFFFC, s20;
	s23 =	spop (v2sf);
	s6 =	sadd.s32 s3, s19  }
0xd4: {  	[tilespmem:s2], [sflag:$0x1] =	stream.linear.gather [hbm4b:s6+s1], $0x20, $0x38;
	[tilespmem:$0x8600] =	vst v63  }
0xd5: {  	s26 =	spop (v2sf);
	(v2sf) =	vpush v1, $0xA;
	s7 =	sand.u32 $0x1FFFFFFC, s23;
	s6 =	sadd.s32 s4, s22  }
0xd6: {  	[tilespmem:s21], [sflag:$0x1] =	stream.linear.gather [hbm4b:s6+s1], $0x20, $0x38;
	[tilespmem:$0x8600] =	vst v63  }
0xd7: {  	s29 =	sand.u32 $0x1FFFFFFC, s26;
	s31 =	spop (v2sf);
	(v2sf) =	vpush v0, $0xA;
	s7 =	sadd.s32 s3, s7  }
0xd8: {  	[tilespmem:s28], [sflag:$0x1] =	stream.linear.gather [hbm4b:s7+s1], $0x20, $0x38;
	[tilespmem:$0x8600] =	vst v63  }
0xd9: {  	(v2sf) =	vpush v1, $0xB;
	s10 =	sand.u32 $0x1FFFFFFC, s31;
	s23 =	simm.s32 $0x540;
	s6 =	sadd.s32 s4, s29  }
0xda: {  	[tilespmem:s30], [sflag:$0x1] =	stream.linear.gather [hbm4b:s6+s1], $0x20, $0x38;
	[tilespmem:$0x8600] =	vst v63  }
0xdb: {  	s21 =	simm.s32 $0x4920;
	s28 =	simm.s32 $0x4960;
	s11 =	spop (v2sf)  }
0xdc: {  	s6 =	sadd.s32 s3, s10;
	s7 =	sand.u32 $0x1FFFFFFC, s11;
	s12 =	spop (v2sf)  }
0xdd: {  	(v2sf) =	vpush v0, $0xB;
	[tilespmem:s8], [sflag:$0x1] =	stream.linear.gather [hbm4b:s6+s1], $0x20, $0x38;
	[tilespmem:$0x8600] =	vst v63  }
0xde: {  	s14 =	sand.u32 $0x1FFFFFFC, s12;
	s7 =	sadd.s32 s4, s7;
	s16 =	spop (v2sf)  }
0xdf: {  	(v2sf) =	vpush v1, $0xC;
	s12 =	simm.s32 $0x560;
	s6 =	sadd.s32 s3, s14;
	s19 =	spop (v2sf)  }
0xe0: {  	[tilespmem:s13], [sflag:$0x1] =	stream.linear.gather [hbm4b:s7+s1], $0x20, $0x38;
	[tilespmem:$0x8600] =	vst v63  }
0xe1: {  	(v2sf) =	vpush v0, $0xC;
	s18 =	sand.u32 $0x1FFFFFFC, s16;
	s7 =	sand.u32 $0x1FFFFFFC, s19;
	s20 =	spop (v2sf)  }
0xe2: {  	(v2sf) =	vpush v1, $0xD;
	s19 =	simm.s32 $0x49C0;
	s22 =	sand.u32 $0x1FFFFFFC, s20;
	s7 =	sadd.s32 s3, s7  }
0xe3: {  	[tilespmem:s15], [sflag:$0x1] =	stream.linear.gather [hbm4b:s6+s1], $0x20, $0x38;
	[tilespmem:$0x8600] =	vst v63  }
0xe4: {  	s26 =	spop (v2sf);
	(v2sf) =	vpush v0, $0xD;
	s20 =	simm.s32 $0x49A0;
	s6 =	sadd.s32 s4, s18  }
0xe5: {  	[tilespmem:s0], [sflag:$0x1] =	stream.linear.gather [hbm4b:s6+s1], $0x20, $0x38;
	[tilespmem:$0x8600] =	vst v63  }
0xe6: {  	(v2sf) =	vpush v1, $0xE;
	s29 =	sand.u32 $0x1FFFFFFC, s26;
	s30 =	spop (v2sf);
	s26 =	simm.s32 $0x20  }
0xe7: {  	[tilespmem:s21], [sflag:$0x1] =	stream.linear.gather [hbm4b:s7+s1], $0x20, $0x38;
	[tilespmem:$0x8600] =	vst v63  }
0xe8: {  	s15 =	simm.s32 $0x4980;
	s31 =	spop (v2sf);
	(v2sf) =	vpush v0, $0xE;
	s6 =	sadd.s32 s4, s22  }
0xe9: {  	[tilespmem:s5], [sflag:$0x1] =	stream.linear.gather [hbm4b:s6+s1], $0x20, $0x38;
	[tilespmem:$0x8600] =	vst v63  }
0xea: {  	s8 =	sand.u32 $0x1FFFFFFC, s31;
	(v2sf) =	vpush v1, $0xF;
	s7 =	sand.u32 $0x1FFFFFFC, s30;
	s6 =	sadd.s32 s3, s29  }
0xeb: {  	[tilespmem:s17], [sflag:$0x1] =	stream.linear.gather [hbm4b:s6+s1], $0x20, $0x38;
	[tilespmem:$0x8600] =	vst v63  }
0xec: {  	s2 =	sadd.s32 s3, s8;
	s10 =	sadd.s32 s4, s7;
	s11 =	spop (v2sf);
	(v2sf) =	vpush v0, $0xF  }
0xed: {  	[tilespmem:s23], [sflag:$0x1] =	stream.linear.gather [hbm4b:s10+s1], $0x20, $0x38;
	[tilespmem:$0x8600] =	vst v63  }
0xee: {  	s17 =	simm.s32 $0x580;
	s0 =	sand.u32 $0x1FFFFFFC, s11;
	s13 =	spop (v2sf)  }
0xef: {  	[tilespmem:s28], [sflag:$0x1] =	stream.linear.gather [hbm4b:s2+s1], $0x20, $0x38;
	[tilespmem:$0x8600] =	vst v63  }
0xf0: {  	s0 =	sadd.s32 s4, s0;
	s5 =	sand.u32 $0x1FFFFFFC, s13;
	s14 =	spop (v2sf)  }
0xf1: {  	s28 =	simm.s32 $0x5A0;
	s16 =	sand.u32 $0x1FFFFFFC, s14;
	s18 =	spop (v2sf)  }
0xf2: {  	[tilespmem:s12], [sflag:$0x1] =	stream.linear.gather [hbm4b:s0+s1], $0x20, $0x38;
	[tilespmem:$0x8600] =	vst v63  }
0xf3: {  	s5 =	sadd.s32 s3, s5;
	s2 =	sadd.s32 s4, s16;
	s22 =	spop (v2sf)  }
0xf4: {  	[tilespmem:s15], [sflag:$0x1] =	stream.linear.gather [hbm4b:s5+s1], $0x20, $0x38;
	[tilespmem:$0x8600] =	vst v63  }
0xf5: {  	s21 =	sand.u32 $0x1FFFFFFC, s18;
	s23 =	spop (v2sf);
	s5 =	sand.u32 $0x1FFFFFFC, s22  }
0xf6: {  	[tilespmem:s17], [sflag:$0x1] =	stream.linear.gather [hbm4b:s2+s1], $0x20, $0x38;
	[tilespmem:$0x8600] =	vst v63  }
0xf7: {  	s29 =	spop (v2sf);
	s30 =	sand.u32 $0x1FFFFFFC, s23;
	s2 =	sadd.s32 s3, s21  }
0xf8: {  	[tilespmem:s20], [sflag:$0x1] =	stream.linear.gather [hbm4b:s2+s1], $0x20, $0x38;
	[tilespmem:$0x8600] =	vst v63  }
0xf9: {  	s5 =	sadd.s32 s4, s5;
	s0 =	sand.u32 $0x1FFFFFFC, s29;
	s31 =	spop (v2sf)  }
0xfa: {  	[tilespmem:s28], [sflag:$0x1] =	stream.linear.gather [hbm4b:s5+s1], $0x20, $0x38;
	[tilespmem:$0x8600] =	vst v63  }
0xfb: {  	s6 =	sadd.s32 s3, s30;
	s2 =	sand.u32 $0x1FFFFFFC, s31;
	s5 =	spop (v2sf)  }
.LBB2_2:
0xfc: {  	[tilespmem:s19], [sflag:$0x1] =	stream.linear.gather [hbm4b:s6+s1], $0x20, $0x38;
	[tilespmem:$0x8600] =	vst v63  }
0xfd: {  	s7 =	sadd.s32 $0x5C0, s25;
	s0 =	sadd.s32 s4, s0  }
0xfe: {  	[tilespmem:s7], [sflag:$0x1] =	stream.linear.gather [hbm4b:s0+s1], $0x20, $0x38;
	[tilespmem:$0x8600] =	vst v63  }
0xff: {  	s12 =	sadd.s32 $0x49E0, s25;
	s2 =	sadd.s32 s3, s2;
	s5 =	sand.u32 $0x1FFFFFFC, s5  }
0x100: {  	[tilespmem:s12], [sflag:$0x1] =	stream.linear.gather [hbm4b:s2+s1], $0x20, $0x38;
	[tilespmem:$0x8600] =	vst v63  }
0x101: {  	s13 =	sadd.s32 $0x5E0, s25;
	s14 =	sadd.s32 s4, s5  }
0x102: {  	[tilespmem:s13], [sflag:$0x1] =	stream.linear.gather [hbm4b:s14+s1], $0x20, $0x38;
	[tilespmem:$0x8600] =	vst v63  }
0x103: {  	_ =	swait.ge [sflag:s9], $0x200  }
0x104: {  	[sflag:s9] =	ssyncset.done $0x0  }
0x105: {  	[sflag:s9] =	ssyncadd.s32 $0xFFFFFE00  }
0x106: {  	_ =	swait.ge [sflag:s9], $0x200  }
0x107: {  	[sflag:s9] =	ssyncset.done $0x0  }
0x108: {  	s15 =	sand.u32 $0x1F0, s26;
	[sflag:s9] =	ssyncadd.s32 $0xFFFFFE00  }
0x109: {  	v0 =	vld [tilespmem:s15+$0x0]  }
0x10a: {  	v1 =	vld [tilespmem:s15+$0x4400];
	_ =	sdelay $0x3  }
0x10b: {  	v0 =	vshll.u32 v0, $0x2  }
0x10c: {  	v1 =	vshll.u32 v1, $0x2;
	(v2sf) =	vpush v0, $0x0  }
0x10d: {  	(v2sf) =	vpush v1, $0x0  }
0x10e: {  	s11 =	smov.u32 s24;
	(v2sf) =	vpush v1, $0x1  }
0x10f: {  	p0 =	sne.s32 s24, $0xF000;
	s25 =	sshra.s32 s11, $0x2;
	(v2sf) =	vpush v0, $0x1  }
0x110: {  	s24 =	sadd.s32 $0x800, s24;
	s26 =	sadd.s32 $0x10, s26;
	s21 =	sadd.s32 $0x400, s25  }
0x111: {  	s0 =	sadd.s32 $0x4800, s25;
	s16 =	sadd.s32 $0x520, s25;
	s23 =	sadd.s32 $0x460, s25;
	(v2sf) =	vpush v1, $0x2  }
0x112: {  	s17 =	sadd.s32 $0x4940, s25;
	s22 =	sadd.s32 $0x4840, s25;
	s18 =	sadd.s32 $0x540, s25  }
0x113: {  	s11 =	sadd.s32 $0x4A0, s25;
	s8 =	sadd.s32 $0x48E0, s25;
	s19 =	sadd.s32 $0x4960, s25;
	(v2sf) =	vpush v0, $0x2  }
0x114: {  	s28 =	sadd.s32 $0x4820, s25;
	s10 =	sadd.s32 $0x48C0, s25;
	s7 =	sadd.s32 $0x4E0, s25  }
0x115: {  	s30 =	sadd.s32 $0x420, s25;
	s5 =	sadd.s32 $0x4920, s25;
	[dreg:$0xb] =	wrdreg s16;
	(v2sf) =	vpush v1, $0x3  }
0x116: {  	s6 =	sadd.s32 $0x4900, s25;
	s20 =	sadd.s32 $0x5A0, s25;
	[dreg:$0xa] =	wrdreg s17  }
0x117: {  	s29 =	sadd.s32 $0x4980, s25;
	s31 =	sadd.s32 $0x580, s25;
	[dreg:$0x8] =	wrdreg s18;
	(v2sf) =	vpush v0, $0x3  }
0x118: {  	s2 =	sadd.s32 $0x500, s25;
	s12 =	sadd.s32 $0x4C0, s25;
	[dreg:$0x7] =	wrdreg s19  }
0x119: {  	s13 =	sadd.s32 $0x4880, s25;
	s14 =	sadd.s32 $0x480, s25;
	[dreg:$0x5] =	wrdreg s20;
	(v2sf) =	vpush v1, $0x4  }
0x11a: {  	s16 =	sadd.s32 $0x4860, s25;
	s19 =	sadd.s32 $0x49C0, s25;
	[dreg:$0xc] =	wrdreg s29  }
0x11b: {  	[dreg:$0x9] =	wrdreg s31;
	s15 =	sadd.s32 $0x49A0, s25;
	s20 =	spop (v2sf);
	(v2sf) =	vpush v0, $0x4  }
0x11c: {  	s29 =	sadd.s32 $0x440, s25;
	[dreg:$0x6] =	wrdreg s15;
	s17 =	spop (v2sf)  }
0x11d: {  	s31 =	sand.u32 $0x1FFFFFFC, s20;
	s18 =	sand.u32 $0x1FFFFFFC, s17;
	s17 =	spop (v2sf)  }
0x11e: {  	(v2sf) =	vpush v1, $0x5;
	s31 =	sadd.s32 s4, s31;
	s15 =	sadd.s32 s3, s18;
	s18 =	spop (v2sf)  }
0x11f: {  	[tilespmem:s0], [sflag:$0x1] =	stream.linear.gather [hbm4b:s15+s1], $0x20, $0x38;
	[tilespmem:$0x8600] =	vst v63  }
0x120: {  	s17 =	sand.u32 $0x1FFFFFFC, s17;
	(v2sf) =	vpush v0, $0x5;
	s15 =	sand.u32 $0x1FFFFFFC, s18;
	s18 =	spop (v2sf)  }
0x121: {  	[tilespmem:s21], [sflag:$0x1] =	stream.linear.gather [hbm4b:s31+s1], $0x20, $0x38;
	[tilespmem:$0x8600] =	vst v63  }
0x122: {  	(v2sf) =	vpush v1, $0x6;
	s31 =	sadd.s32 s3, s17;
	s17 =	sand.u32 $0x1FFFFFFC, s18;
	s21 =	spop (v2sf)  }
0x123: {  	[tilespmem:s28], [sflag:$0x1] =	stream.linear.gather [hbm4b:s31+s1], $0x20, $0x38;
	[tilespmem:$0x8600] =	vst v63  }
0x124: {  	(v2sf) =	vpush v0, $0x6;
	s31 =	sadd.s32 s4, s15;
	s15 =	sand.u32 $0x1FFFFFFC, s21;
	s21 =	spop (v2sf)  }
0x125: {  	[tilespmem:s30], [sflag:$0x1] =	stream.linear.gather [hbm4b:s31+s1], $0x20, $0x38;
	[tilespmem:$0x8600] =	vst v63  }
0x126: {  	s9 =	sadd.s32 $0x48A0, s25;
	(v2sf) =	vpush v1, $0x7;
	s28 =	sadd.s32 s3, s17;
	s31 =	spop (v2sf)  }
0x127: {  	[tilespmem:s22], [sflag:$0x1] =	stream.linear.gather [hbm4b:s28+s1], $0x20, $0x38;
	[tilespmem:$0x8600] =	vst v63  }
0x128: {  	s30 =	sand.u32 $0x1FFFFFFC, s21;
	(v2sf) =	vpush v0, $0x7;
	s21 =	sadd.s32 s4, s15;
	s28 =	spop (v2sf)  }
0x129: {  	[tilespmem:s29], [sflag:$0x1] =	stream.linear.gather [hbm4b:s21+s1], $0x20, $0x38;
	[tilespmem:$0x8600] =	vst v63  }
0x12a: {  	s22 =	sand.u32 $0x1FFFFFFC, s31;
	(v2sf) =	vpush v1, $0x8;
	s29 =	sadd.s32 s3, s30;
	s31 =	spop (v2sf)  }
0x12b: {  	[tilespmem:s16], [sflag:$0x1] =	stream.linear.gather [hbm4b:s29+s1], $0x20, $0x38;
	[tilespmem:$0x8600] =	vst v63  }
0x12c: {  	s20 =	sadd.s32 $0x560, s25;
	s30 =	sand.u32 $0x1FFFFFFC, s28;
	(v2sf) =	vpush v0, $0x8;
	s21 =	sand.u32 $0x1FFFFFFC, s31  }
0x12d: {  	s16 =	sadd.s32 s4, s22;
	s22 =	spop (v2sf);
	s29 =	sadd.s32 s4, s21  }
0x12e: {  	[tilespmem:s23], [sflag:$0x1] =	stream.linear.gather [hbm4b:s16+s1], $0x20, $0x38;
	[tilespmem:$0x8600] =	vst v63  }
0x12f: {  	(v2sf) =	vpush v1, $0x9;
	s23 =	sadd.s32 s3, s30;
	s16 =	sand.u32 $0x1FFFFFFC, s22;
	s28 =	spop (v2sf)  }
0x130: {  	(v2sf) =	vpush v0, $0x9;
	[tilespmem:s13], [sflag:$0x1] =	stream.linear.gather [hbm4b:s23+s1], $0x20, $0x38;
	[tilespmem:$0x8600] =	vst v63  }
0x131: {  	s30 =	sand.u32 $0x1FFFFFFC, s28;
	s31 =	spop (v2sf);
	s17 =	sadd.s32 s3, s16  }
0x132: {  	(v2sf) =	vpush v1, $0xA;
	[tilespmem:s14], [sflag:$0x1] =	stream.linear.gather [hbm4b:s29+s1], $0x20, $0x38;
	[tilespmem:$0x8600] =	vst v63  }
0x133: {  	s18 =	sand.u32 $0x1FFFFFFC, s31;
	s22 =	sadd.s32 s4, s30;
	s21 =	spop (v2sf)  }
0x134: {  	(v2sf) =	vpush v0, $0xA;
	[tilespmem:s9], [sflag:$0x1] =	stream.linear.gather [hbm4b:s17+s1], $0x20, $0x38;
	[tilespmem:$0x8600] =	vst v63  }
0x135: {  	s23 =	sand.u32 $0x1FFFFFFC, s21;
	s29 =	sadd.s32 s3, s18;
	s28 =	spop (v2sf)  }
0x136: {  	(v2sf) =	vpush v1, $0xB;
	[tilespmem:s11], [sflag:$0x1] =	stream.linear.gather [hbm4b:s22+s1], $0x20, $0x38;
	[tilespmem:$0x8600] =	vst v63  }
0x137: {  	s30 =	sand.u32 $0x1FFFFFFC, s28;
	s9 =	simm.s32 $0x1;
	s31 =	spop (v2sf)  }
0x138: {  	[tilespmem:s10], [sflag:$0x1] =	stream.linear.gather [hbm4b:s29+s1], $0x20, $0x38;
	[tilespmem:$0x8600] =	vst v63  }
0x139: {  	(v2sf) =	vpush v0, $0xB;
	s13 =	sand.u32 $0x1FFFFFFC, s31;
	s14 =	spop (v2sf);
	s10 =	sadd.s32 s4, s23  }
0x13a: {  	[tilespmem:s12], [sflag:$0x1] =	stream.linear.gather [hbm4b:s10+s1], $0x20, $0x38;
	[tilespmem:$0x8600] =	vst v63  }
0x13b: {  	s15 =	sadd.s32 s3, s30;
	(v2sf) =	vpush v1, $0xC;
	s17 =	sadd.s32 s4, s13;
	s16 =	spop (v2sf)  }
0x13c: {  	s10 =	sand.u32 $0x1FFFFFFC, s14;
	s14 =	rddreg [dreg:$0xb];
	s18 =	sand.u32 $0x1FFFFFFC, s16  }
0x13d: {  	(v2sf) =	vpush v0, $0xC;
	[tilespmem:s8], [sflag:$0x1] =	stream.linear.gather [hbm4b:s15+s1], $0x20, $0x38;
	[tilespmem:$0x8600] =	vst v63  }
0x13e: {  	s22 =	sadd.s32 s3, s10;
	s21 =	spop (v2sf);
	s29 =	sadd.s32 s4, s18  }
0x13f: {  	s18 =	rddreg [dreg:$0xa];
	s23 =	sand.u32 $0x1FFFFFFC, s21;
	s28 =	spop (v2sf)  }
0x140: {  	[tilespmem:s7], [sflag:$0x1] =	stream.linear.gather [hbm4b:s17+s1], $0x20, $0x38;
	[tilespmem:$0x8600] =	vst v63  }
0x141: {  	(v2sf) =	vpush v1, $0xD;
	s30 =	sand.u32 $0x1FFFFFFC, s28;
	s31 =	spop (v2sf);
	s7 =	sadd.s32 s3, s23  }
0x142: {  	[tilespmem:s6], [sflag:$0x1] =	stream.linear.gather [hbm4b:s22+s1], $0x20, $0x38;
	[tilespmem:$0x8600] =	vst v63  }
0x143: {  	(v2sf) =	vpush v0, $0xD;
	s28 =	rddreg [dreg:$0x8];
	s8 =	sand.u32 $0x1FFFFFFC, s31;
	s10 =	spop (v2sf)  }
0x144: {  	[tilespmem:s2], [sflag:$0x1] =	stream.linear.gather [hbm4b:s29+s1], $0x20, $0x38;
	[tilespmem:$0x8600] =	vst v63  }
0x145: {  	(v2sf) =	vpush v1, $0xE;
	s11 =	sadd.s32 s4, s30;
	s15 =	sadd.s32 s3, s8;
	s13 =	spop (v2sf)  }
0x146: {  	s8 =	rddreg [dreg:$0x7];
	s12 =	sand.u32 $0x1FFFFFFC, s10;
	s16 =	sand.u32 $0x1FFFFFFC, s13  }
0x147: {  	(v2sf) =	vpush v0, $0xE;
	[tilespmem:s5], [sflag:$0x1] =	stream.linear.gather [hbm4b:s7+s1], $0x20, $0x38;
	[tilespmem:$0x8600] =	vst v63  }
0x148: {  	s21 =	sadd.s32 s4, s12;
	s17 =	spop (v2sf);
	s29 =	sadd.s32 s3, s16  }
0x149: {  	(v2sf) =	vpush v1, $0xF;
	[tilespmem:s14], [sflag:$0x1] =	stream.linear.gather [hbm4b:s11+s1], $0x20, $0x38;
	[tilespmem:$0x8600] =	vst v63  }
0x14a: {  	s16 =	rddreg [dreg:$0xc];
	s22 =	sand.u32 $0x1FFFFFFC, s17;
	s23 =	spop (v2sf)  }
0x14b: {  	(v2sf) =	vpush v0, $0xF;
	[tilespmem:s18], [sflag:$0x1] =	stream.linear.gather [hbm4b:s15+s1], $0x20, $0x38;
	[tilespmem:$0x8600] =	vst v63  }
0x14c: {  	s10 =	sadd.s32 s4, s22;
	s30 =	sand.u32 $0x1FFFFFFC, s23;
	s31 =	spop (v2sf)  }
0x14d: {  	[tilespmem:s28], [sflag:$0x1] =	stream.linear.gather [hbm4b:s21+s1], $0x20, $0x38;
	[tilespmem:$0x8600] =	vst v63  }
0x14e: {  	s13 =	sadd.s32 s3, s30;
	s11 =	sand.u32 $0x1FFFFFFC, s31;
	s21 =	rddreg [dreg:$0x9]  }
0x14f: {  	[tilespmem:s8], [sflag:$0x1] =	stream.linear.gather [hbm4b:s29+s1], $0x20, $0x38;
	[tilespmem:$0x8600] =	vst v63  }
0x150: {  	s31 =	rddreg [dreg:$0x5];
	s12 =	spop (v2sf);
	s17 =	sadd.s32 s4, s11  }
0x151: {  	[tilespmem:s20], [sflag:$0x1] =	stream.linear.gather [hbm4b:s10+s1], $0x20, $0x38;
	[tilespmem:$0x8600] =	vst v63  }
0x152: {  	s14 =	sand.u32 $0x1FFFFFFC, s12;
	s15 =	spop (v2sf);
	s29 =	rddreg [dreg:$0x6]  }
0x153: {  	[tilespmem:s16], [sflag:$0x1] =	stream.linear.gather [hbm4b:s13+s1], $0x20, $0x38;
	[tilespmem:$0x8600] =	vst v63  }
0x154: {  	s18 =	sand.u32 $0x1FFFFFFC, s15;
	s22 =	sadd.s32 s3, s14;
	s20 =	spop (v2sf)  }
0x155: {  	[tilespmem:s21], [sflag:$0x1] =	stream.linear.gather [hbm4b:s17+s1], $0x20, $0x38;
	[tilespmem:$0x8600] =	vst v63  }
.Ltmp0:
0x156: {  	s5 =	sadd.s32 s4, s18;
	s28 =	spop (v2sf);
	(pc) =	sbr.rel @p0 .LBB2_2-.Ltmp0, $4  }
0x157: {  	[tilespmem:s29], [sflag:$0x1] =	stream.linear.gather [hbm4b:s22+s1], $0x20, $0x38;
	[tilespmem:$0x8600] =	vst v63  }
0x158: {  	s23 =	sand.u32 $0x1FFFFFFC, s20;
	s0 =	sand.u32 $0x1FFFFFFC, s28;
	s30 =	spop (v2sf)  }
0x159: {  	[tilespmem:s31], [sflag:$0x1] =	stream.linear.gather [hbm4b:s5+s1], $0x20, $0x38;
	[tilespmem:$0x8600] =	vst v63  }
0x15a: {  	s6 =	sadd.s32 s3, s23;
	s2 =	sand.u32 $0x1FFFFFFC, s30;
	s5 =	spop (v2sf)  }
0x15b: {  	[tilespmem:s19], [sflag:$0x1] =	stream.linear.gather [hbm4b:s6+s1], $0x20, $0x38;
	[tilespmem:$0x8600] =	vst v63  }
0x15c: {  	s28 =	sadd.s32 $0x5C0, s25;
	s0 =	sadd.s32 s4, s0  }
0x15d: {  	[tilespmem:s28], [sflag:$0x1] =	stream.linear.gather [hbm4b:s0+s1], $0x20, $0x38;
	[tilespmem:$0x8600] =	vst v63  }
0x15e: {  	s29 =	sadd.s32 $0x49E0, s25;
	s2 =	sadd.s32 s3, s2;
	s5 =	sand.u32 $0x1FFFFFFC, s5  }
0x15f: {  	[tilespmem:s29], [sflag:$0x1] =	stream.linear.gather [hbm4b:s2+s1], $0x20, $0x38;
	[tilespmem:$0x8600] =	vst v63  }
0x160: {  	s30 =	sadd.s32 $0x5E0, s25;
	s31 =	sadd.s32 s4, s5  }
0x161: {  	[tilespmem:s30], [sflag:$0x1] =	stream.linear.gather [hbm4b:s31+s1], $0x20, $0x38;
	[tilespmem:$0x8600] =	vst v63  }
0x162: {  	_ =	swait.ge [sflag:s9], $0x200  }
0x163: {  	[sflag:s9] =	ssyncset.done $0x0  }
0x164: {  	[sflag:s9] =	ssyncadd.s32 $0xFFFFFE00  }
0x165: {  	_ =	swait.ge [sflag:s9], $0x200  }
0x166: {  	[sflag:s9] =	ssyncset.done $0x0  }
0x167: {  	[sflag:s9] =	ssyncadd.s32 $0xFFFFFE00  }
0x168: {  	_ =	swait.ge [sflag:s9], $0x200  }
0x169: {  	[sflag:s9] =	ssyncset.done $0x0  }
0x16a: {  	[sflag:s9] =	ssyncadd.s32 $0xFFFFFE00  }
0x16b: {  	_ =	swait.ge [sflag:s9], $0x200  }
0x16c: {  	[sflag:s9] =	ssyncset.done $0x0  }
0x16d: {  	s0 =	simm.s32 $0x210;
	[sflag:s9] =	ssyncadd.s32 $0xFFFFFE00  }
0x16e: {  	s5 =	simm.s32 $0x4610;
	v0 =	vld [tilespmem:s0+$0xFFFFFFF0]  }
0x16f: {  	v1 =	vld [tilespmem:s5+$0xFFFFFFF0]  }
0x170: {  	v2 =	vld [tilespmem:s5+$0x0]  }
0x171: {  	s6 =	simm.s32 $0x1;
	s7 =	simm.s32 $0x4200;
	s2 =	simm.s32 $0x0;
	v3 =	vld [tilespmem:s0+$0x0]  }
.LBB2_4:
0x172: {  	p0 =	sne.s32 s6, $0x1FF;
	_ =	sdelay $0x3  }
0x173: {  	v0 =	vmul.f32 v0, v1;
	v1 =	vmul.f32 v3, v2;
	_ =	sdelay $0x1  }
0x174: {  	v0 =	vadd.f32 v1, v0;
	_ =	sdelay $0x1  }
0x175: {  	(xrf2) =	vadd.scan.msk.f32 $0xffff, v0;
	_ =	sdelay $0x5  }
0x176: {  	v0 =	vmov s2;
	s2 =	smov.u32 s6;
	_ =	sdelay $0x3  }
0x177: {  	v1, _, _ =	vpop (xrf2)  }
.Ltmp1:
0x178: {  	s0 =	sadd.s32 $0x20, s0;
	[tilespmem:v0+s7+$0x0] =	vst.idx.msk vm0, v1;
	(pc) =	sbr.rel @p0 .LBB2_4-.Ltmp1, $4  }
0x179: {  	s5 =	sadd.s32 $0x20, s5;
	v0 =	vld [tilespmem:s0+$0xFFFFFFF0]  }
0x17a: {  	v1 =	vld [tilespmem:s5+$0xFFFFFFF0]  }
0x17b: {  	v2 =	vld [tilespmem:s5+$0x0]  }
0x17c: {  	s6 =	sadd.s32 $0x1, s6;
	v3 =	vld [tilespmem:s0+$0x0]  }
0x17d: {  	_ =	sdelay $0x3  }
0x17e: {  	v0 =	vmul.f32 v0, v1;
	v61 =	vmul.f32 v3, v2;
	_ =	sdelay $0x1  }
0x17f: {  	v0 =	vadd.f32 v61, v0;
	_ =	sdelay $0x1  }
0x180: {  	(xrf2) =	vadd.scan.msk.f32 $0xffff, v0;
	_ =	sdelay $0x5  }
0x181: {  	v62 =	vmov s2;
	_ =	sdelay $0x3  }
0x182: {  	v63, _, _ =	vpop (xrf2)  }
0x183: {  	s0 =	rddreg [dreg:$0x15];
	s5 =	simm.s32 $0x2;
	[tilespmem:v62+s7+$0x0] =	vst.idx.msk vm0, v63  }
0x184: {  	[hbm4b:s0+s1] =	stream.linear.scatter [tilespmem:s7], [sflag:$0x2], $0x200, $0x38;
	[tilespmem:$0x8600] =	vst v63  }
0x185: {  	_ =	swait.ge [sflag:s5], $0x200  }
0x186: {  	s30 =	rddreg [dreg:$0x17]  }
0x187: {  	s31 =	rddreg [dreg:$0x16];
	s2 =	sadd.s32 $0x1, s30  }
0x188: {  	p0 =	sne.s32 s2, s31  }
.Ltmp2:
0x189: {  	_ = 	snop;
	(pc) =	sbr.rel @p0 .LBB2_1-.Ltmp2, $3  }
0x18a: {  	_ =	sdelay $0x1  }
0x18b: {  	[sflag:s5] =	ssyncset.done $0x0  }
0x18c: {  	[sflag:s5] =	ssyncadd.s32 $0xFFFFFE00  }
0x18d: {  	_ =	sfence.sel $0x180000  }
0x18e: {  	[bflag:$0x0] =	sbarrier.arrive $0xFFFF  }
0x18f: {  	_ =	strace $0x90000047  }
0x190: {  	s0 =	stileid.u32;
	[bflag:$0x2] =	sbarrier.arrive $0xFFFF  }
0x191: {  	p0 =	sne.s32 s0, $0x0;
	s0 =	rddreg [dreg:$0x4]  }
0x192: {  	s0 =	sadd.s32 @!p0 $0x100000, s0  }
0x193: {  	[sflag:s0] =	ssyncadd.tile.s32 @!p0 $0x1;
	_ =	shalt  }
.Lfunc_end2:
_tile_overlayer_lowered:
.L_overlay_start_2:
0x194: {  	(tag) =	ssettag $0x2  }
0x195: {  	s0 =	rddreg [dreg:$0x0];
	s2 =	stileid.u32  }
0x196: {  	s1 =	rddreg [dreg:$0x1];
	p0 =	sne.s32 s2, $0x0  }
0x197: {  	s3 =	rddreg [dreg:$0x2];
	[bflag:$0x3] =	sbarrier.arrive $0xFFFF;
	s2 =	simm.s32 @!p0 $0x1C02  }
0x198: {  	[timem:s3], [sflag:s2] =	dma.local @!p0 [hbm:s0], s1  }
0x199: {  	s0 =	simm.s32 @!p0 $0x2  }
0x19a: {  	_ =	swait.ge @!p0 [sflag:s0], s1  }
0x19b: {  	s1 =	ssub.s32 @!p0 $0x0, s1;
	[sflag:s0] =	ssyncset.done @!p0 $0x0  }
0x19c: {  	[sflag:s0] =	ssyncadd.s32 @!p0 s1  }
0x19d: {  	[bflag:$0x3] =	sbarrier.arrive $0xFFFF  }
0x19e: {  	_ =	shalt  }

</sc_bundles>
